<compile_context>
chip_gen: v7x
topology: tpu7x:2x2x1
jax: 0.10.2.dev20260603
libtpu: 0.0.44.dev20260713+nightly
codegen_flags: <defaults>
</compile_context>

<pallas_src>
import jax
import jax.numpy as jnp
from jax import lax
from jax.experimental import pallas as pl
from jax.experimental.pallas import tpu as pltpu
from jax.experimental.pallas import tpu_sc as plsc
from functools import partial

_NIN = 512
_NOUT = 8
_NDISC = 3
_OUT_STD = 0.1
_LO = -0.1
_HI = 0.1

_NW = 32
_RB = 16

_SC_ROWS = 1024


def _mu_tc_kernel(x_ref, wt_ref, o_ref):
    w = wt_ref[...]
    w0 = w[0]
    a = (w[1] - w0).astype(jnp.bfloat16)
    b = (w[2] - w[1]).astype(jnp.bfloat16)
    base = jnp.sum(w0, axis=0, keepdims=True)
    x = x_ref[...]
    m1 = (x > _LO).astype(jnp.bfloat16)
    m2 = (x > _HI).astype(jnp.bfloat16)
    dot = partial(jax.lax.dot_general,
                  dimension_numbers=(((1,), (0,)), ((), ())),
                  preferred_element_type=jnp.float32)
    o_ref[...] = dot(m1, a) + dot(m2, b) + base


def _mu_tc(x, W, row_start=0):
    batch = x.shape[0]
    nrows = batch - row_start
    tile = next(t for t in (2048, 1024, 512, 256, 128, 64, 32, 16, 8)
                if nrows % t == 0 and row_start % t == 0)
    blk0 = row_start // tile
    wt = jnp.transpose(W.reshape(_NOUT, _NIN, _NDISC), (2, 1, 0))
    return pl.pallas_call(
        _mu_tc_kernel,
        grid=(nrows // tile,),
        in_specs=[
            pl.BlockSpec((tile, _NIN), lambda i: (i + blk0, 0)),
            pl.BlockSpec((_NDISC, _NIN, _NOUT), lambda i: (0, 0, 0)),
        ],
        out_specs=pl.BlockSpec((tile, _NOUT), lambda i: (i, 0)),
        out_shape=jax.ShapeDtypeStruct((nrows, _NOUT), jnp.float32),
    )(x, wt)


def _mu_sc(x, W, nrows):
    rows_per_w = nrows // _NW
    nblk = rows_per_w // _RB
    mesh = plsc.VectorSubcoreMesh(core_axis_name="c", subcore_axis_name="s")

    _PITCH = _NIN + 1

    @partial(
        pl.kernel,
        mesh=mesh,
        out_type=jax.ShapeDtypeStruct((nrows * _NOUT,), jnp.float32),
        scratch_types=[
            pltpu.VMEM((2 * _RB, _PITCH), jnp.float32),
            pltpu.VMEM((_NOUT * _NIN * _NDISC,), jnp.float32),
            pltpu.VMEM((_RB * _NOUT,), jnp.float32),
            pltpu.SemaphoreType.DMA,
            pltpu.SemaphoreType.DMA,
        ],
        compiler_params=pltpu.CompilerParams(needs_layout_passes=False),
    )
    def sc_k(x_hbm, w_hbm, out_hbm, xbuf, wbuf, obuf, sem0, sem1):
        wid = lax.axis_index("s") * 2 + lax.axis_index("c")
        base_row = wid * rows_per_w
        pltpu.sync_copy(w_hbm, wbuf)
        lanes = lax.iota(jnp.int32, 16)
        out_off = lanes * _NOUT
        sems = (sem0, sem1)

        def x_slice(blk):
            return x_hbm.at[pl.ds(base_row + blk * _RB, _RB), :]

        def half(p):
            return xbuf.at[pl.ds(p * _RB, _RB), pl.ds(0, _NIN)]

        pltpu.async_copy(x_slice(0), half(0), sem0)

        def do_pair(t, carry):
            for p in range(2):
                blk = 2 * t + p
                pltpu.make_async_copy(x_slice(0), half(p), sems[p]).wait()
                nxt = jnp.minimum(blk + 1, nblk - 1)
                pltpu.async_copy(x_slice(nxt), half(1 - p), sems[1 - p])
                row_idx = lanes + p * _RB

                def col_body(i, accs):
                    xv = plsc.load_gather(xbuf, [row_idx, jnp.full((16,), i, jnp.int32)])
                    d = ((xv > _LO).astype(jnp.int32)
                         + (xv > _HI).astype(jnp.int32))
                    idx = d + 3 * i
                    return tuple(
                        accs[o] + plsc.load_gather(
                            wbuf, [idx + o * (_NIN * _NDISC)])
                        for o in range(_NOUT))

                zeros = tuple(jnp.zeros((16,), jnp.float32)
                              for _ in range(_NOUT))
                accs = plsc.parallel_loop(
                    0, _NIN, unroll=8, carry=zeros)(col_body)
                for o in range(_NOUT):
                    plsc.store_scatter(obuf, [out_off + o], accs[o])
                pltpu.sync_copy(
                    obuf,
                    out_hbm.at[pl.ds((base_row + blk * _RB) * _NOUT,
                                     _RB * _NOUT)])
            return carry

        lax.fori_loop(0, nblk // 2, do_pair, 0)
        pltpu.make_async_copy(x_slice(0), half(0), sem0).wait()

    out = sc_k(x, W.reshape(-1))
    return out.reshape(nrows, _NOUT)


def kernel(x, W):
    batch = x.shape[0]
    s = min(_SC_ROWS, batch)
    if s == batch:
        mu = _mu_sc(x, W, batch)
    elif s == 0:
        mu = _mu_tc(x, W)
    else:
        mu_sc = _mu_sc(x, W, s)
        mu_tc = _mu_tc(x, W, s)
        mu = jnp.concatenate([mu_sc, mu_tc], axis=0)
    idx = jnp.arange(_NOUT)
    scale_tril = (jnp.zeros((1, _NOUT, _NOUT), dtype=jnp.float32)
                  .at[:, idx, idx].set(_OUT_STD))
    return mu, scale_tril

# --- scband reference (transcript-rebuilt; emitter-appended) ---
"""Pipeline reference for scband-net-cont-pdg-d2-28157805592650 (READ-ONLY COPY).

The authoritative reference and input builder live on the scoring server;
editing this copy changes nothing except your own understanding.
"""

import jax, jax.numpy as jnp
import numpy as np

NIN = 512
NOUT = 8
NDISC = 3  # len(disc_bounds) + 1
NHID = NIN * NDISC
BATCH = 16384
OUT_STD = 0.1


def setup_inputs(seed: int = 0) -> dict:
    key = jax.random.key(seed)
    k1, k2 = jax.random.split(key)
    x = jax.random.normal(k1, (BATCH, NIN), dtype=jnp.float32)
    # fc_mu weight: torch Linear weight shape [nout, n_hidden], init N(init_mu/nin, init_std/nin)
    W = (0.3 / NIN) + (0.1 / NIN) * jax.random.normal(k2, (NOUT, NHID), dtype=jnp.float32)
    return {"x": x, "W": W}


def reference(x, W):
    disc_bounds = jnp.array([-0.1, 0.1], dtype=jnp.float32)
    # torch.bucketize(x, bounds) with right=False == searchsorted side='left'
    x_dvec = jnp.searchsorted(disc_bounds, x, side='left').reshape(-1, NIN)
    x_onehot = jax.nn.one_hot(x_dvec, NDISC, dtype=jnp.float32).reshape(-1, NHID)
    mu = x_onehot @ W.T
    # dist = MultivariateNormal(mu, scale_tril=diag_embed(stdmax)); stdmax is constant
    sig = jnp.full((1, NOUT), OUT_STD, dtype=jnp.float32)
    scale_tril = jnp.zeros((1, NOUT, NOUT), dtype=jnp.float32).at[:, jnp.arange(NOUT), jnp.arange(NOUT)].set(sig)
    return mu, scale_tril

if __name__ == "__main__":
    import jax
    _d = setup_inputs()
    print(jax.jit(kernel)(*tuple(_d.values())))

</pallas_src>

<mosaic_0001>
#map = affine_map<(d0, d1) -> (0, 0)>
#map1 = affine_map<(d0, d1) -> (0)>
module attributes {stable_mosaic.version = 14 : i64} {
  func.func @sc_k(%arg0: i32, %arg1: i32, %arg2: memref<16384x512xf32, #tpu.memory_space<hbm>>, %arg3: memref<12288xf32, #tpu.memory_space<hbm>>, %arg4: memref<8192xf32, #tpu.memory_space<hbm>>, %arg5: memref<32x513xf32, #tpu.memory_space<vmem>>, %arg6: memref<12288xf32, #tpu.memory_space<vmem>>, %arg7: memref<128xf32, #tpu.memory_space<vmem>>, %arg8: memref<!tpu.dma_semaphore, #tpu.memory_space<semaphore_mem>>, %arg9: memref<!tpu.dma_semaphore, #tpu.memory_space<semaphore_mem>>) attributes {dimension_semantics = [#tpu.dimension_semantics<core_parallel>, #tpu.dimension_semantics<subcore_parallel>], iteration_bounds = array<i64: 2, 16>, scalar_prefetch = 0 : i64, scratch_operands = 5 : i64, tpu.core_type = #tpu.core_type<sc_vector_subcore>, window_params = [{transform_indices = #map}, {transform_indices = #map1}, {transform_indices = #map1}]} {
    %mul3A = arith.constant 2 : i32
    %mul3A_0 = arith.muli %arg1, %mul3A : i32
    %add3A = arith.addi %mul3A_0, %arg0 : i32
    %mul3A_1 = arith.constant 32 : i32
    %mul3A_2 = arith.muli %add3A, %mul3A_1 : i32
    "tpu.region"() ({
      %run_scoped3A = tpu.sem_alloc : memref<!tpu.dma_semaphore, #tpu.memory_space<semaphore_mem>>
      tpu.enqueue_dma source(%arg3 : memref<12288xf32, #tpu.memory_space<hbm>>) target(%arg6 : memref<12288xf32, #tpu.memory_space<vmem>>) target_semaphore(%run_scoped3A : memref<!tpu.dma_semaphore, #tpu.memory_space<semaphore_mem>>)
      tpu.wait_dma2 semaphore(%run_scoped3A : memref<!tpu.dma_semaphore, #tpu.memory_space<semaphore_mem>>) src(%arg3 : memref<12288xf32, #tpu.memory_space<hbm>>) dst(%arg6 : memref<12288xf32, #tpu.memory_space<vmem>>)
      tpu.yield
    }) : () -> ()
    %iota3A = tpu.iota {dimensions = array<i32: 0>} : vector<16xi32>
    %mul3A_3 = arith.constant 8 : i32
    %mul3A_4 = vector.broadcast %mul3A_3 : i32 to vector<16xi32>
    %mul3A_5 = arith.muli %iota3A, %mul3A_4 : vector<16xi32>
    %add3A_6 = arith.constant 0 : i32
    %add3A_7 = arith.addi %mul3A_2, %add3A_6 : i32
    %dma_start3A = arith.constant 0 : i32
    %dma_start3A_8 = arith.constant 0 : i32
    %dma_start3A_9 = tpu.memref_slice %arg5[%dma_start3A, %dma_start3A_8] : memref<32x513xf32, #tpu.memory_space<vmem>> -> memref<16x512xf32, #tpu.memory_space<vmem>>
    %dma_start3A_10 = arith.constant 0 : i32
    %dma_start3A_11 = tpu.memref_slice %arg2[%add3A_7, %dma_start3A_10] : memref<16384x512xf32, #tpu.memory_space<hbm>> -> memref<16x512xf32, #tpu.memory_space<hbm>>
    %dma_start3A_12 = arith.constant 0 : i32
    %dma_start3A_13 = arith.constant 0 : i32
    %dma_start3A_14 = tpu.memref_slice %arg5[%dma_start3A_12, %dma_start3A_13] : memref<32x513xf32, #tpu.memory_space<vmem>> -> memref<16x512xf32, #tpu.memory_space<vmem>>
    %dma_start3A_15 = arith.constant 0 : i32
    %dma_start3A_16 = tpu.memref_slice %arg2[%add3A_7, %dma_start3A_15] : memref<16384x512xf32, #tpu.memory_space<hbm>> -> memref<16x512xf32, #tpu.memory_space<hbm>>
    tpu.enqueue_dma source(%dma_start3A_16 : memref<16x512xf32, #tpu.memory_space<hbm>>) target(%dma_start3A_14 : memref<16x512xf32, #tpu.memory_space<vmem>>) target_semaphore(%arg8 : memref<!tpu.dma_semaphore, #tpu.memory_space<semaphore_mem>>)
    %scan3A = arith.constant 0 : i32
    %scan3A_17 = arith.constant 0 : i32
    %mul3A_18 = arith.constant 2 : i32
    %mul3A_19 = arith.muli %mul3A_18, %scan3A_17 : i32
    %add3A_20 = arith.constant 0 : i32
    %add3A_21 = arith.addi %mul3A_19, %add3A_20 : i32
    %add3A_22 = arith.constant 0 : i32
    %add3A_23 = arith.addi %mul3A_2, %add3A_22 : i32
    %dma_wait3A = arith.constant 0 : i32
    %dma_wait3A_24 = arith.constant 0 : i32
    %dma_wait3A_25 = tpu.memref_slice %arg5[%dma_wait3A, %dma_wait3A_24] : memref<32x513xf32, #tpu.memory_space<vmem>> -> memref<16x512xf32, #tpu.memory_space<vmem>>
    %dma_wait3A_26 = arith.constant 0 : i32
    %dma_wait3A_27 = tpu.memref_slice %arg2[%add3A_23, %dma_wait3A_26] : memref<16384x512xf32, #tpu.memory_space<hbm>> -> memref<16x512xf32, #tpu.memory_space<hbm>>
    %dma_wait3A_28 = arith.constant 0 : i32
    %dma_wait3A_29 = arith.constant 0 : i32
    %dma_wait3A_30 = tpu.memref_slice %arg5[%dma_wait3A_28, %dma_wait3A_29] : memref<32x513xf32, #tpu.memory_space<vmem>> -> memref<16x512xf32, #tpu.memory_space<vmem>>
    %dma_wait3A_31 = arith.constant 0 : i32
    %dma_wait3A_32 = tpu.memref_slice %arg2[%add3A_23, %dma_wait3A_31] : memref<16384x512xf32, #tpu.memory_space<hbm>> -> memref<16x512xf32, #tpu.memory_space<hbm>>
    tpu.wait_dma2 semaphore(%arg8 : memref<!tpu.dma_semaphore, #tpu.memory_space<semaphore_mem>>) src(%dma_wait3A_32 : memref<16x512xf32, #tpu.memory_space<hbm>>) dst(%dma_wait3A_30 : memref<16x512xf32, #tpu.memory_space<vmem>>)
    %add3A_33 = arith.constant 1 : i32
    %add3A_34 = arith.addi %add3A_21, %add3A_33 : i32
    %min3A = arith.constant 1 : i32
    %min3A_35 = arith.minsi %add3A_34, %min3A : i32
    %mul3A_36 = arith.constant 16 : i32
    %mul3A_37 = arith.muli %min3A_35, %mul3A_36 : i32
    %add3A_38 = arith.addi %mul3A_2, %mul3A_37 : i32
    %dma_start3A_39 = arith.constant 16 : i32
    %dma_start3A_40 = arith.constant 0 : i32
    %dma_start3A_41 = tpu.memref_slice %arg5[%dma_start3A_39, %dma_start3A_40] : memref<32x513xf32, #tpu.memory_space<vmem>> -> memref<16x512xf32, #tpu.memory_space<vmem>>
    %dma_start3A_42 = arith.constant 0 : i32
    %dma_start3A_43 = tpu.memref_slice %arg2[%add3A_38, %dma_start3A_42] : memref<16384x512xf32, #tpu.memory_space<hbm>> -> memref<16x512xf32, #tpu.memory_space<hbm>>
    %dma_start3A_44 = arith.constant 16 : i32
    %dma_start3A_45 = arith.constant 0 : i32
    %dma_start3A_46 = tpu.memref_slice %arg5[%dma_start3A_44, %dma_start3A_45] : memref<32x513xf32, #tpu.memory_space<vmem>> -> memref<16x512xf32, #tpu.memory_space<vmem>>
    %dma_start3A_47 = arith.constant 0 : i32
    %dma_start3A_48 = tpu.memref_slice %arg2[%add3A_38, %dma_start3A_47] : memref<16384x512xf32, #tpu.memory_space<hbm>> -> memref<16x512xf32, #tpu.memory_space<hbm>>
    tpu.enqueue_dma source(%dma_start3A_48 : memref<16x512xf32, #tpu.memory_space<hbm>>) target(%dma_start3A_46 : memref<16x512xf32, #tpu.memory_space<vmem>>) target_semaphore(%arg9 : memref<!tpu.dma_semaphore, #tpu.memory_space<semaphore_mem>>)
    %add3A_49 = arith.constant 0 : i32
    %add3A_50 = vector.broadcast %add3A_49 : i32 to vector<16xi32>
    %add3A_51 = arith.addi %iota3A, %add3A_50 : vector<16xi32>
    %broadcast_in_dim3A = arith.constant 0.000000e+00 : f32
    %broadcast_in_dim3A_52 = vector.broadcast %broadcast_in_dim3A : f32 to vector<16xf32>
    %broadcast_in_dim3A_53 = arith.constant 0.000000e+00 : f32
    %broadcast_in_dim3A_54 = vector.broadcast %broadcast_in_dim3A_53 : f32 to vector<16xf32>
    %broadcast_in_dim3A_55 = arith.constant 0.000000e+00 : f32
    %broadcast_in_dim3A_56 = vector.broadcast %broadcast_in_dim3A_55 : f32 to vector<16xf32>
    %broadcast_in_dim3A_57 = arith.constant 0.000000e+00 : f32
    %broadcast_in_dim3A_58 = vector.broadcast %broadcast_in_dim3A_57 : f32 to vector<16xf32>
    %broadcast_in_dim3A_59 = arith.constant 0.000000e+00 : f32
    %broadcast_in_dim3A_60 = vector.broadcast %broadcast_in_dim3A_59 : f32 to vector<16xf32>
    %broadcast_in_dim3A_61 = arith.constant 0.000000e+00 : f32
    %broadcast_in_dim3A_62 = vector.broadcast %broadcast_in_dim3A_61 : f32 to vector<16xf32>
    %broadcast_in_dim3A_63 = arith.constant 0.000000e+00 : f32
    %broadcast_in_dim3A_64 = vector.broadcast %broadcast_in_dim3A_63 : f32 to vector<16xf32>
    %broadcast_in_dim3A_65 = arith.constant 0.000000e+00 : f32
    %broadcast_in_dim3A_66 = vector.broadcast %broadcast_in_dim3A_65 : f32 to vector<16xf32>
    %parallel_loop3A = arith.constant 0 : i32
    %parallel_loop3A_67 = arith.constant 512 : i32
    %parallel_loop3A_68 = arith.constant 1 : i32
    %parallel_loop3A_69:8 = scf.for %parallel_loop3A_197 = %parallel_loop3A to %parallel_loop3A_67 step %parallel_loop3A_68 iter_args(%parallel_loop3A_198 = %broadcast_in_dim3A_52, %parallel_loop3A_199 = %broadcast_in_dim3A_54, %parallel_loop3A_200 = %broadcast_in_dim3A_56, %parallel_loop3A_201 = %broadcast_in_dim3A_58, %parallel_loop3A_202 = %broadcast_in_dim3A_60, %parallel_loop3A_203 = %broadcast_in_dim3A_62, %parallel_loop3A_204 = %broadcast_in_dim3A_64, %parallel_loop3A_205 = %broadcast_in_dim3A_66) -> (vector<16xf32>, vector<16xf32>, vector<16xf32>, vector<16xf32>, vector<16xf32>, vector<16xf32>, vector<16xf32>, vector<16xf32>)  : i32 {
      %parallel_loop3A_206 = vector.broadcast %parallel_loop3A_197 : i32 to vector<16xi32>
      %parallel_loop3A_207 = tpu.vector_load_idx %arg5[%add3A_51, %parallel_loop3A_206] : memref<32x513xf32, #tpu.memory_space<vmem>>[vector<16xi32>, vector<16xi32>], vector<16xf32>,
      %parallel_loop3A_208 = arith.constant -1.000000e-01 : f32
      %parallel_loop3A_209 = vector.broadcast %parallel_loop3A_208 : f32 to vector<16xf32>
      %parallel_loop3A_210 = arith.cmpf ogt, %parallel_loop3A_207, %parallel_loop3A_209 : vector<16xf32>
      %parallel_loop3A_211 = arith.extui %parallel_loop3A_210 : vector<16xi1> to vector<16xi32>
      %parallel_loop3A_212 = arith.constant 1.000000e-01 : f32
      %parallel_loop3A_213 = vector.broadcast %parallel_loop3A_212 : f32 to vector<16xf32>
      %parallel_loop3A_214 = arith.cmpf ogt, %parallel_loop3A_207, %parallel_loop3A_213 : vector<16xf32>
      %parallel_loop3A_215 = arith.extui %parallel_loop3A_214 : vector<16xi1> to vector<16xi32>
      %parallel_loop3A_216 = arith.addi %parallel_loop3A_211, %parallel_loop3A_215 : vector<16xi32>
      %parallel_loop3A_217 = arith.constant 3 : i32
      %parallel_loop3A_218 = arith.muli %parallel_loop3A_217, %parallel_loop3A_197 : i32
      %parallel_loop3A_219 = vector.broadcast %parallel_loop3A_218 : i32 to vector<16xi32>
      %parallel_loop3A_220 = arith.addi %parallel_loop3A_216, %parallel_loop3A_219 : vector<16xi32>
      %parallel_loop3A_221 = arith.constant 0 : i32
      %parallel_loop3A_222 = vector.broadcast %parallel_loop3A_221 : i32 to vector<16xi32>
      %parallel_loop3A_223 = arith.addi %parallel_loop3A_220, %parallel_loop3A_222 : vector<16xi32>
      %parallel_loop3A_224 = tpu.vector_load_idx %arg6[%parallel_loop3A_223] : memref<12288xf32, #tpu.memory_space<vmem>>[vector<16xi32>], vector<16xf32>,
      %parallel_loop3A_225 = arith.addf %parallel_loop3A_198, %parallel_loop3A_224 : vector<16xf32>
      %parallel_loop3A_226 = arith.constant 1536 : i32
      %parallel_loop3A_227 = vector.broadcast %parallel_loop3A_226 : i32 to vector<16xi32>
      %parallel_loop3A_228 = arith.addi %parallel_loop3A_220, %parallel_loop3A_227 : vector<16xi32>
      %parallel_loop3A_229 = tpu.vector_load_idx %arg6[%parallel_loop3A_228] : memref<12288xf32, #tpu.memory_space<vmem>>[vector<16xi32>], vector<16xf32>,
      %parallel_loop3A_230 = arith.addf %parallel_loop3A_199, %parallel_loop3A_229 : vector<16xf32>
      %parallel_loop3A_231 = arith.constant 3072 : i32
      %parallel_loop3A_232 = vector.broadcast %parallel_loop3A_231 : i32 to vector<16xi32>
      %parallel_loop3A_233 = arith.addi %parallel_loop3A_220, %parallel_loop3A_232 : vector<16xi32>
      %parallel_loop3A_234 = tpu.vector_load_idx %arg6[%parallel_loop3A_233] : memref<12288xf32, #tpu.memory_space<vmem>>[vector<16xi32>], vector<16xf32>,
      %parallel_loop3A_235 = arith.addf %parallel_loop3A_200, %parallel_loop3A_234 : vector<16xf32>
      %parallel_loop3A_236 = arith.constant 4608 : i32
      %parallel_loop3A_237 = vector.broadcast %parallel_loop3A_236 : i32 to vector<16xi32>
      %parallel_loop3A_238 = arith.addi %parallel_loop3A_220, %parallel_loop3A_237 : vector<16xi32>
      %parallel_loop3A_239 = tpu.vector_load_idx %arg6[%parallel_loop3A_238] : memref<12288xf32, #tpu.memory_space<vmem>>[vector<16xi32>], vector<16xf32>,
      %parallel_loop3A_240 = arith.addf %parallel_loop3A_201, %parallel_loop3A_239 : vector<16xf32>
      %parallel_loop3A_241 = arith.constant 6144 : i32
      %parallel_loop3A_242 = vector.broadcast %parallel_loop3A_241 : i32 to vector<16xi32>
      %parallel_loop3A_243 = arith.addi %parallel_loop3A_220, %parallel_loop3A_242 : vector<16xi32>
      %parallel_loop3A_244 = tpu.vector_load_idx %arg6[%parallel_loop3A_243] : memref<12288xf32, #tpu.memory_space<vmem>>[vector<16xi32>], vector<16xf32>,
      %parallel_loop3A_245 = arith.addf %parallel_loop3A_202, %parallel_loop3A_244 : vector<16xf32>
      %parallel_loop3A_246 = arith.constant 7680 : i32
      %parallel_loop3A_247 = vector.broadcast %parallel_loop3A_246 : i32 to vector<16xi32>
      %parallel_loop3A_248 = arith.addi %parallel_loop3A_220, %parallel_loop3A_247 : vector<16xi32>
      %parallel_loop3A_249 = tpu.vector_load_idx %arg6[%parallel_loop3A_248] : memref<12288xf32, #tpu.memory_space<vmem>>[vector<16xi32>], vector<16xf32>,
      %parallel_loop3A_250 = arith.addf %parallel_loop3A_203, %parallel_loop3A_249 : vector<16xf32>
      %parallel_loop3A_251 = arith.constant 9216 : i32
      %parallel_loop3A_252 = vector.broadcast %parallel_loop3A_251 : i32 to vector<16xi32>
      %parallel_loop3A_253 = arith.addi %parallel_loop3A_220, %parallel_loop3A_252 : vector<16xi32>
      %parallel_loop3A_254 = tpu.vector_load_idx %arg6[%parallel_loop3A_253] : memref<12288xf32, #tpu.memory_space<vmem>>[vector<16xi32>], vector<16xf32>,
      %parallel_loop3A_255 = arith.addf %parallel_loop3A_204, %parallel_loop3A_254 : vector<16xf32>
      %parallel_loop3A_256 = arith.constant 10752 : i32
      %parallel_loop3A_257 = vector.broadcast %parallel_loop3A_256 : i32 to vector<16xi32>
      %parallel_loop3A_258 = arith.addi %parallel_loop3A_220, %parallel_loop3A_257 : vector<16xi32>
      %parallel_loop3A_259 = tpu.vector_load_idx %arg6[%parallel_loop3A_258] : memref<12288xf32, #tpu.memory_space<vmem>>[vector<16xi32>], vector<16xf32>,
      %parallel_loop3A_260 = arith.addf %parallel_loop3A_205, %parallel_loop3A_259 : vector<16xf32>
      scf.yield %parallel_loop3A_225, %parallel_loop3A_230, %parallel_loop3A_235, %parallel_loop3A_240, %parallel_loop3A_245, %parallel_loop3A_250, %parallel_loop3A_255, %parallel_loop3A_260 : vector<16xf32>, vector<16xf32>, vector<16xf32>, vector<16xf32>, vector<16xf32>, vector<16xf32>, vector<16xf32>, vector<16xf32>
    } {sc.loop_unroll_factor = 8 : i64, sc.parallel_access}
    %add3A_70 = arith.constant 0 : i32
    %add3A_71 = vector.broadcast %add3A_70 : i32 to vector<16xi32>
    %add3A_72 = arith.addi %mul3A_5, %add3A_71 : vector<16xi32>
    tpu.vector_store_idx %arg7[%add3A_72], %parallel_loop3A_69#0 : memref<128xf32, #tpu.memory_space<vmem>>[vector<16xi32>], vector<16xf32>,
    %add3A_73 = arith.constant 1 : i32
    %add3A_74 = vector.broadcast %add3A_73 : i32 to vector<16xi32>
    %add3A_75 = arith.addi %mul3A_5, %add3A_74 : vector<16xi32>
    tpu.vector_store_idx %arg7[%add3A_75], %parallel_loop3A_69#1 : memref<128xf32, #tpu.memory_space<vmem>>[vector<16xi32>], vector<16xf32>,
    %add3A_76 = arith.constant 2 : i32
    %add3A_77 = vector.broadcast %add3A_76 : i32 to vector<16xi32>
    %add3A_78 = arith.addi %mul3A_5, %add3A_77 : vector<16xi32>
    tpu.vector_store_idx %arg7[%add3A_78], %parallel_loop3A_69#2 : memref<128xf32, #tpu.memory_space<vmem>>[vector<16xi32>], vector<16xf32>,
    %add3A_79 = arith.constant 3 : i32
    %add3A_80 = vector.broadcast %add3A_79 : i32 to vector<16xi32>
    %add3A_81 = arith.addi %mul3A_5, %add3A_80 : vector<16xi32>
    tpu.vector_store_idx %arg7[%add3A_81], %parallel_loop3A_69#3 : memref<128xf32, #tpu.memory_space<vmem>>[vector<16xi32>], vector<16xf32>,
    %add3A_82 = arith.constant 4 : i32
    %add3A_83 = vector.broadcast %add3A_82 : i32 to vector<16xi32>
    %add3A_84 = arith.addi %mul3A_5, %add3A_83 : vector<16xi32>
    tpu.vector_store_idx %arg7[%add3A_84], %parallel_loop3A_69#4 : memref<128xf32, #tpu.memory_space<vmem>>[vector<16xi32>], vector<16xf32>,
    %add3A_85 = arith.constant 5 : i32
    %add3A_86 = vector.broadcast %add3A_85 : i32 to vector<16xi32>
    %add3A_87 = arith.addi %mul3A_5, %add3A_86 : vector<16xi32>
    tpu.vector_store_idx %arg7[%add3A_87], %parallel_loop3A_69#5 : memref<128xf32, #tpu.memory_space<vmem>>[vector<16xi32>], vector<16xf32>,
    %add3A_88 = arith.constant 6 : i32
    %add3A_89 = vector.broadcast %add3A_88 : i32 to vector<16xi32>
    %add3A_90 = arith.addi %mul3A_5, %add3A_89 : vector<16xi32>
    tpu.vector_store_idx %arg7[%add3A_90], %parallel_loop3A_69#6 : memref<128xf32, #tpu.memory_space<vmem>>[vector<16xi32>], vector<16xf32>,
    %add3A_91 = arith.constant 7 : i32
    %add3A_92 = vector.broadcast %add3A_91 : i32 to vector<16xi32>
    %add3A_93 = arith.addi %mul3A_5, %add3A_92 : vector<16xi32>
    tpu.vector_store_idx %arg7[%add3A_93], %parallel_loop3A_69#7 : memref<128xf32, #tpu.memory_space<vmem>>[vector<16xi32>], vector<16xf32>,
    %mul3A_94 = arith.constant 16 : i32
    %mul3A_95 = arith.muli %add3A_21, %mul3A_94 : i32
    %add3A_96 = arith.addi %mul3A_2, %mul3A_95 : i32
    %mul3A_97 = arith.constant 8 : i32
    %mul3A_98 = arith.muli %add3A_96, %mul3A_97 : i32
    "tpu.region"() ({
      %run_scoped3A = tpu.sem_alloc : memref<!tpu.dma_semaphore, #tpu.memory_space<semaphore_mem>>
      %dma_start3A_197 = tpu.memref_slice %arg4[%mul3A_98] : memref<8192xf32, #tpu.memory_space<hbm>> -> memref<128xf32, #tpu.memory_space<hbm>>
      %dma_start3A_198 = tpu.memref_slice %arg4[%mul3A_98] : memref<8192xf32, #tpu.memory_space<hbm>> -> memref<128xf32, #tpu.memory_space<hbm>>
      tpu.enqueue_dma source(%arg7 : memref<128xf32, #tpu.memory_space<vmem>>) target(%dma_start3A_198 : memref<128xf32, #tpu.memory_space<hbm>>) target_semaphore(%run_scoped3A : memref<!tpu.dma_semaphore, #tpu.memory_space<semaphore_mem>>)
      %dma_wait3A_199 = tpu.memref_slice %arg4[%mul3A_98] : memref<8192xf32, #tpu.memory_space<hbm>> -> memref<128xf32, #tpu.memory_space<hbm>>
      %dma_wait3A_200 = tpu.memref_slice %arg4[%mul3A_98] : memref<8192xf32, #tpu.memory_space<hbm>> -> memref<128xf32, #tpu.memory_space<hbm>>
      tpu.wait_dma2 semaphore(%run_scoped3A : memref<!tpu.dma_semaphore, #tpu.memory_space<semaphore_mem>>) src(%arg7 : memref<128xf32, #tpu.memory_space<vmem>>) dst(%dma_wait3A_200 : memref<128xf32, #tpu.memory_space<hbm>>)
      tpu.yield
    }) : () -> ()
    %mul3A_99 = arith.constant 2 : i32
    %mul3A_100 = arith.muli %mul3A_99, %scan3A_17 : i32
    %add3A_101 = arith.constant 1 : i32
    %add3A_102 = arith.addi %mul3A_100, %add3A_101 : i32
    %add3A_103 = arith.constant 0 : i32
    %add3A_104 = arith.addi %mul3A_2, %add3A_103 : i32
    %dma_wait3A_105 = arith.constant 16 : i32
    %dma_wait3A_106 = arith.constant 0 : i32
    %dma_wait3A_107 = tpu.memref_slice %arg5[%dma_wait3A_105, %dma_wait3A_106] : memref<32x513xf32, #tpu.memory_space<vmem>> -> memref<16x512xf32, #tpu.memory_space<vmem>>
    %dma_wait3A_108 = arith.constant 0 : i32
    %dma_wait3A_109 = tpu.memref_slice %arg2[%add3A_104, %dma_wait3A_108] : memref<16384x512xf32, #tpu.memory_space<hbm>> -> memref<16x512xf32, #tpu.memory_space<hbm>>
    %dma_wait3A_110 = arith.constant 16 : i32
    %dma_wait3A_111 = arith.constant 0 : i32
    %dma_wait3A_112 = tpu.memref_slice %arg5[%dma_wait3A_110, %dma_wait3A_111] : memref<32x513xf32, #tpu.memory_space<vmem>> -> memref<16x512xf32, #tpu.memory_space<vmem>>
    %dma_wait3A_113 = arith.constant 0 : i32
    %dma_wait3A_114 = tpu.memref_slice %arg2[%add3A_104, %dma_wait3A_113] : memref<16384x512xf32, #tpu.memory_space<hbm>> -> memref<16x512xf32, #tpu.memory_space<hbm>>
    tpu.wait_dma2 semaphore(%arg9 : memref<!tpu.dma_semaphore, #tpu.memory_space<semaphore_mem>>) src(%dma_wait3A_114 : memref<16x512xf32, #tpu.memory_space<hbm>>) dst(%dma_wait3A_112 : memref<16x512xf32, #tpu.memory_space<vmem>>)
    %add3A_115 = arith.constant 1 : i32
    %add3A_116 = arith.addi %add3A_102, %add3A_115 : i32
    %min3A_117 = arith.constant 1 : i32
    %min3A_118 = arith.minsi %add3A_116, %min3A_117 : i32
    %mul3A_119 = arith.constant 16 : i32
    %mul3A_120 = arith.muli %min3A_118, %mul3A_119 : i32
    %add3A_121 = arith.addi %mul3A_2, %mul3A_120 : i32
    %dma_start3A_122 = arith.constant 0 : i32
    %dma_start3A_123 = arith.constant 0 : i32
    %dma_start3A_124 = tpu.memref_slice %arg5[%dma_start3A_122, %dma_start3A_123] : memref<32x513xf32, #tpu.memory_space<vmem>> -> memref<16x512xf32, #tpu.memory_space<vmem>>
    %dma_start3A_125 = arith.constant 0 : i32
    %dma_start3A_126 = tpu.memref_slice %arg2[%add3A_121, %dma_start3A_125] : memref<16384x512xf32, #tpu.memory_space<hbm>> -> memref<16x512xf32, #tpu.memory_space<hbm>>
    %dma_start3A_127 = arith.constant 0 : i32
    %dma_start3A_128 = arith.constant 0 : i32
    %dma_start3A_129 = tpu.memref_slice %arg5[%dma_start3A_127, %dma_start3A_128] : memref<32x513xf32, #tpu.memory_space<vmem>> -> memref<16x512xf32, #tpu.memory_space<vmem>>
    %dma_start3A_130 = arith.constant 0 : i32
    %dma_start3A_131 = tpu.memref_slice %arg2[%add3A_121, %dma_start3A_130] : memref<16384x512xf32, #tpu.memory_space<hbm>> -> memref<16x512xf32, #tpu.memory_space<hbm>>
    tpu.enqueue_dma source(%dma_start3A_131 : memref<16x512xf32, #tpu.memory_space<hbm>>) target(%dma_start3A_129 : memref<16x512xf32, #tpu.memory_space<vmem>>) target_semaphore(%arg8 : memref<!tpu.dma_semaphore, #tpu.memory_space<semaphore_mem>>)
    %add3A_132 = arith.constant 16 : i32
    %add3A_133 = vector.broadcast %add3A_132 : i32 to vector<16xi32>
    %add3A_134 = arith.addi %iota3A, %add3A_133 : vector<16xi32>
    %broadcast_in_dim3A_135 = arith.constant 0.000000e+00 : f32
    %broadcast_in_dim3A_136 = vector.broadcast %broadcast_in_dim3A_135 : f32 to vector<16xf32>
    %broadcast_in_dim3A_137 = arith.constant 0.000000e+00 : f32
    %broadcast_in_dim3A_138 = vector.broadcast %broadcast_in_dim3A_137 : f32 to vector<16xf32>
    %broadcast_in_dim3A_139 = arith.constant 0.000000e+00 : f32
    %broadcast_in_dim3A_140 = vector.broadcast %broadcast_in_dim3A_139 : f32 to vector<16xf32>
    %broadcast_in_dim3A_141 = arith.constant 0.000000e+00 : f32
    %broadcast_in_dim3A_142 = vector.broadcast %broadcast_in_dim3A_141 : f32 to vector<16xf32>
    %broadcast_in_dim3A_143 = arith.constant 0.000000e+00 : f32
    %broadcast_in_dim3A_144 = vector.broadcast %broadcast_in_dim3A_143 : f32 to vector<16xf32>
    %broadcast_in_dim3A_145 = arith.constant 0.000000e+00 : f32
    %broadcast_in_dim3A_146 = vector.broadcast %broadcast_in_dim3A_145 : f32 to vector<16xf32>
    %broadcast_in_dim3A_147 = arith.constant 0.000000e+00 : f32
    %broadcast_in_dim3A_148 = vector.broadcast %broadcast_in_dim3A_147 : f32 to vector<16xf32>
    %broadcast_in_dim3A_149 = arith.constant 0.000000e+00 : f32
    %broadcast_in_dim3A_150 = vector.broadcast %broadcast_in_dim3A_149 : f32 to vector<16xf32>
    %parallel_loop3A_151 = arith.constant 0 : i32
    %parallel_loop3A_152 = arith.constant 512 : i32
    %parallel_loop3A_153 = arith.constant 1 : i32
    %parallel_loop3A_154:8 = scf.for %parallel_loop3A_197 = %parallel_loop3A_151 to %parallel_loop3A_152 step %parallel_loop3A_153 iter_args(%parallel_loop3A_198 = %broadcast_in_dim3A_136, %parallel_loop3A_199 = %broadcast_in_dim3A_138, %parallel_loop3A_200 = %broadcast_in_dim3A_140, %parallel_loop3A_201 = %broadcast_in_dim3A_142, %parallel_loop3A_202 = %broadcast_in_dim3A_144, %parallel_loop3A_203 = %broadcast_in_dim3A_146, %parallel_loop3A_204 = %broadcast_in_dim3A_148, %parallel_loop3A_205 = %broadcast_in_dim3A_150) -> (vector<16xf32>, vector<16xf32>, vector<16xf32>, vector<16xf32>, vector<16xf32>, vector<16xf32>, vector<16xf32>, vector<16xf32>)  : i32 {
      %parallel_loop3A_206 = vector.broadcast %parallel_loop3A_197 : i32 to vector<16xi32>
      %parallel_loop3A_207 = tpu.vector_load_idx %arg5[%add3A_134, %parallel_loop3A_206] : memref<32x513xf32, #tpu.memory_space<vmem>>[vector<16xi32>, vector<16xi32>], vector<16xf32>,
      %parallel_loop3A_208 = arith.constant -1.000000e-01 : f32
      %parallel_loop3A_209 = vector.broadcast %parallel_loop3A_208 : f32 to vector<16xf32>
      %parallel_loop3A_210 = arith.cmpf ogt, %parallel_loop3A_207, %parallel_loop3A_209 : vector<16xf32>
      %parallel_loop3A_211 = arith.extui %parallel_loop3A_210 : vector<16xi1> to vector<16xi32>
      %parallel_loop3A_212 = arith.constant 1.000000e-01 : f32
      %parallel_loop3A_213 = vector.broadcast %parallel_loop3A_212 : f32 to vector<16xf32>
      %parallel_loop3A_214 = arith.cmpf ogt, %parallel_loop3A_207, %parallel_loop3A_213 : vector<16xf32>
      %parallel_loop3A_215 = arith.extui %parallel_loop3A_214 : vector<16xi1> to vector<16xi32>
      %parallel_loop3A_216 = arith.addi %parallel_loop3A_211, %parallel_loop3A_215 : vector<16xi32>
      %parallel_loop3A_217 = arith.constant 3 : i32
      %parallel_loop3A_218 = arith.muli %parallel_loop3A_217, %parallel_loop3A_197 : i32
      %parallel_loop3A_219 = vector.broadcast %parallel_loop3A_218 : i32 to vector<16xi32>
      %parallel_loop3A_220 = arith.addi %parallel_loop3A_216, %parallel_loop3A_219 : vector<16xi32>
      %parallel_loop3A_221 = arith.constant 0 : i32
      %parallel_loop3A_222 = vector.broadcast %parallel_loop3A_221 : i32 to vector<16xi32>
      %parallel_loop3A_223 = arith.addi %parallel_loop3A_220, %parallel_loop3A_222 : vector<16xi32>
      %parallel_loop3A_224 = tpu.vector_load_idx %arg6[%parallel_loop3A_223] : memref<12288xf32, #tpu.memory_space<vmem>>[vector<16xi32>], vector<16xf32>,
      %parallel_loop3A_225 = arith.addf %parallel_loop3A_198, %parallel_loop3A_224 : vector<16xf32>
      %parallel_loop3A_226 = arith.constant 1536 : i32
      %parallel_loop3A_227 = vector.broadcast %parallel_loop3A_226 : i32 to vector<16xi32>
      %parallel_loop3A_228 = arith.addi %parallel_loop3A_220, %parallel_loop3A_227 : vector<16xi32>
      %parallel_loop3A_229 = tpu.vector_load_idx %arg6[%parallel_loop3A_228] : memref<12288xf32, #tpu.memory_space<vmem>>[vector<16xi32>], vector<16xf32>,
      %parallel_loop3A_230 = arith.addf %parallel_loop3A_199, %parallel_loop3A_229 : vector<16xf32>
      %parallel_loop3A_231 = arith.constant 3072 : i32
      %parallel_loop3A_232 = vector.broadcast %parallel_loop3A_231 : i32 to vector<16xi32>
      %parallel_loop3A_233 = arith.addi %parallel_loop3A_220, %parallel_loop3A_232 : vector<16xi32>
      %parallel_loop3A_234 = tpu.vector_load_idx %arg6[%parallel_loop3A_233] : memref<12288xf32, #tpu.memory_space<vmem>>[vector<16xi32>], vector<16xf32>,
      %parallel_loop3A_235 = arith.addf %parallel_loop3A_200, %parallel_loop3A_234 : vector<16xf32>
      %parallel_loop3A_236 = arith.constant 4608 : i32
      %parallel_loop3A_237 = vector.broadcast %parallel_loop3A_236 : i32 to vector<16xi32>
      %parallel_loop3A_238 = arith.addi %parallel_loop3A_220, %parallel_loop3A_237 : vector<16xi32>
      %parallel_loop3A_239 = tpu.vector_load_idx %arg6[%parallel_loop3A_238] : memref<12288xf32, #tpu.memory_space<vmem>>[vector<16xi32>], vector<16xf32>,
      %parallel_loop3A_240 = arith.addf %parallel_loop3A_201, %parallel_loop3A_239 : vector<16xf32>
      %parallel_loop3A_241 = arith.constant 6144 : i32
      %parallel_loop3A_242 = vector.broadcast %parallel_loop3A_241 : i32 to vector<16xi32>
      %parallel_loop3A_243 = arith.addi %parallel_loop3A_220, %parallel_loop3A_242 : vector<16xi32>
      %parallel_loop3A_244 = tpu.vector_load_idx %arg6[%parallel_loop3A_243] : memref<12288xf32, #tpu.memory_space<vmem>>[vector<16xi32>], vector<16xf32>,
      %parallel_loop3A_245 = arith.addf %parallel_loop3A_202, %parallel_loop3A_244 : vector<16xf32>
      %parallel_loop3A_246 = arith.constant 7680 : i32
      %parallel_loop3A_247 = vector.broadcast %parallel_loop3A_246 : i32 to vector<16xi32>
      %parallel_loop3A_248 = arith.addi %parallel_loop3A_220, %parallel_loop3A_247 : vector<16xi32>
      %parallel_loop3A_249 = tpu.vector_load_idx %arg6[%parallel_loop3A_248] : memref<12288xf32, #tpu.memory_space<vmem>>[vector<16xi32>], vector<16xf32>,
      %parallel_loop3A_250 = arith.addf %parallel_loop3A_203, %parallel_loop3A_249 : vector<16xf32>
      %parallel_loop3A_251 = arith.constant 9216 : i32
      %parallel_loop3A_252 = vector.broadcast %parallel_loop3A_251 : i32 to vector<16xi32>
      %parallel_loop3A_253 = arith.addi %parallel_loop3A_220, %parallel_loop3A_252 : vector<16xi32>
      %parallel_loop3A_254 = tpu.vector_load_idx %arg6[%parallel_loop3A_253] : memref<12288xf32, #tpu.memory_space<vmem>>[vector<16xi32>], vector<16xf32>,
      %parallel_loop3A_255 = arith.addf %parallel_loop3A_204, %parallel_loop3A_254 : vector<16xf32>
      %parallel_loop3A_256 = arith.constant 10752 : i32
      %parallel_loop3A_257 = vector.broadcast %parallel_loop3A_256 : i32 to vector<16xi32>
      %parallel_loop3A_258 = arith.addi %parallel_loop3A_220, %parallel_loop3A_257 : vector<16xi32>
      %parallel_loop3A_259 = tpu.vector_load_idx %arg6[%parallel_loop3A_258] : memref<12288xf32, #tpu.memory_space<vmem>>[vector<16xi32>], vector<16xf32>,
      %parallel_loop3A_260 = arith.addf %parallel_loop3A_205, %parallel_loop3A_259 : vector<16xf32>
      scf.yield %parallel_loop3A_225, %parallel_loop3A_230, %parallel_loop3A_235, %parallel_loop3A_240, %parallel_loop3A_245, %parallel_loop3A_250, %parallel_loop3A_255, %parallel_loop3A_260 : vector<16xf32>, vector<16xf32>, vector<16xf32>, vector<16xf32>, vector<16xf32>, vector<16xf32>, vector<16xf32>, vector<16xf32>
    } {sc.loop_unroll_factor = 8 : i64, sc.parallel_access}
    %add3A_155 = arith.constant 0 : i32
    %add3A_156 = vector.broadcast %add3A_155 : i32 to vector<16xi32>
    %add3A_157 = arith.addi %mul3A_5, %add3A_156 : vector<16xi32>
    tpu.vector_store_idx %arg7[%add3A_157], %parallel_loop3A_154#0 : memref<128xf32, #tpu.memory_space<vmem>>[vector<16xi32>], vector<16xf32>,
    %add3A_158 = arith.constant 1 : i32
    %add3A_159 = vector.broadcast %add3A_158 : i32 to vector<16xi32>
    %add3A_160 = arith.addi %mul3A_5, %add3A_159 : vector<16xi32>
    tpu.vector_store_idx %arg7[%add3A_160], %parallel_loop3A_154#1 : memref<128xf32, #tpu.memory_space<vmem>>[vector<16xi32>], vector<16xf32>,
    %add3A_161 = arith.constant 2 : i32
    %add3A_162 = vector.broadcast %add3A_161 : i32 to vector<16xi32>
    %add3A_163 = arith.addi %mul3A_5, %add3A_162 : vector<16xi32>
    tpu.vector_store_idx %arg7[%add3A_163], %parallel_loop3A_154#2 : memref<128xf32, #tpu.memory_space<vmem>>[vector<16xi32>], vector<16xf32>,
    %add3A_164 = arith.constant 3 : i32
    %add3A_165 = vector.broadcast %add3A_164 : i32 to vector<16xi32>
    %add3A_166 = arith.addi %mul3A_5, %add3A_165 : vector<16xi32>
    tpu.vector_store_idx %arg7[%add3A_166], %parallel_loop3A_154#3 : memref<128xf32, #tpu.memory_space<vmem>>[vector<16xi32>], vector<16xf32>,
    %add3A_167 = arith.constant 4 : i32
    %add3A_168 = vector.broadcast %add3A_167 : i32 to vector<16xi32>
    %add3A_169 = arith.addi %mul3A_5, %add3A_168 : vector<16xi32>
    tpu.vector_store_idx %arg7[%add3A_169], %parallel_loop3A_154#4 : memref<128xf32, #tpu.memory_space<vmem>>[vector<16xi32>], vector<16xf32>,
    %add3A_170 = arith.constant 5 : i32
    %add3A_171 = vector.broadcast %add3A_170 : i32 to vector<16xi32>
    %add3A_172 = arith.addi %mul3A_5, %add3A_171 : vector<16xi32>
    tpu.vector_store_idx %arg7[%add3A_172], %parallel_loop3A_154#5 : memref<128xf32, #tpu.memory_space<vmem>>[vector<16xi32>], vector<16xf32>,
    %add3A_173 = arith.constant 6 : i32
    %add3A_174 = vector.broadcast %add3A_173 : i32 to vector<16xi32>
    %add3A_175 = arith.addi %mul3A_5, %add3A_174 : vector<16xi32>
    tpu.vector_store_idx %arg7[%add3A_175], %parallel_loop3A_154#6 : memref<128xf32, #tpu.memory_space<vmem>>[vector<16xi32>], vector<16xf32>,
    %add3A_176 = arith.constant 7 : i32
    %add3A_177 = vector.broadcast %add3A_176 : i32 to vector<16xi32>
    %add3A_178 = arith.addi %mul3A_5, %add3A_177 : vector<16xi32>
    tpu.vector_store_idx %arg7[%add3A_178], %parallel_loop3A_154#7 : memref<128xf32, #tpu.memory_space<vmem>>[vector<16xi32>], vector<16xf32>,
    %mul3A_179 = arith.constant 16 : i32
    %mul3A_180 = arith.muli %add3A_102, %mul3A_179 : i32
    %add3A_181 = arith.addi %mul3A_2, %mul3A_180 : i32
    %mul3A_182 = arith.constant 8 : i32
    %mul3A_183 = arith.muli %add3A_181, %mul3A_182 : i32
    "tpu.region"() ({
      %run_scoped3A = tpu.sem_alloc : memref<!tpu.dma_semaphore, #tpu.memory_space<semaphore_mem>>
      %dma_start3A_197 = tpu.memref_slice %arg4[%mul3A_183] : memref<8192xf32, #tpu.memory_space<hbm>> -> memref<128xf32, #tpu.memory_space<hbm>>
      %dma_start3A_198 = tpu.memref_slice %arg4[%mul3A_183] : memref<8192xf32, #tpu.memory_space<hbm>> -> memref<128xf32, #tpu.memory_space<hbm>>
      tpu.enqueue_dma source(%arg7 : memref<128xf32, #tpu.memory_space<vmem>>) target(%dma_start3A_198 : memref<128xf32, #tpu.memory_space<hbm>>) target_semaphore(%run_scoped3A : memref<!tpu.dma_semaphore, #tpu.memory_space<semaphore_mem>>)
      %dma_wait3A_199 = tpu.memref_slice %arg4[%mul3A_183] : memref<8192xf32, #tpu.memory_space<hbm>> -> memref<128xf32, #tpu.memory_space<hbm>>
      %dma_wait3A_200 = tpu.memref_slice %arg4[%mul3A_183] : memref<8192xf32, #tpu.memory_space<hbm>> -> memref<128xf32, #tpu.memory_space<hbm>>
      tpu.wait_dma2 semaphore(%run_scoped3A : memref<!tpu.dma_semaphore, #tpu.memory_space<semaphore_mem>>) src(%arg7 : memref<128xf32, #tpu.memory_space<vmem>>) dst(%dma_wait3A_200 : memref<128xf32, #tpu.memory_space<hbm>>)
      tpu.yield
    }) : () -> ()
    %scan3A_184 = arith.constant 1 : i32
    %add3A_185 = arith.constant 0 : i32
    %add3A_186 = arith.addi %mul3A_2, %add3A_185 : i32
    %dma_wait3A_187 = arith.constant 0 : i32
    %dma_wait3A_188 = arith.constant 0 : i32
    %dma_wait3A_189 = tpu.memref_slice %arg5[%dma_wait3A_187, %dma_wait3A_188] : memref<32x513xf32, #tpu.memory_space<vmem>> -> memref<16x512xf32, #tpu.memory_space<vmem>>
    %dma_wait3A_190 = arith.constant 0 : i32
    %dma_wait3A_191 = tpu.memref_slice %arg2[%add3A_186, %dma_wait3A_190] : memref<16384x512xf32, #tpu.memory_space<hbm>> -> memref<16x512xf32, #tpu.memory_space<hbm>>
    %dma_wait3A_192 = arith.constant 0 : i32
    %dma_wait3A_193 = arith.constant 0 : i32
    %dma_wait3A_194 = tpu.memref_slice %arg5[%dma_wait3A_192, %dma_wait3A_193] : memref<32x513xf32, #tpu.memory_space<vmem>> -> memref<16x512xf32, #tpu.memory_space<vmem>>
    %dma_wait3A_195 = arith.constant 0 : i32
    %dma_wait3A_196 = tpu.memref_slice %arg2[%add3A_186, %dma_wait3A_195] : memref<16384x512xf32, #tpu.memory_space<hbm>> -> memref<16x512xf32, #tpu.memory_space<hbm>>
    tpu.wait_dma2 semaphore(%arg8 : memref<!tpu.dma_semaphore, #tpu.memory_space<semaphore_mem>>) src(%dma_wait3A_196 : memref<16x512xf32, #tpu.memory_space<hbm>>) dst(%dma_wait3A_194 : memref<16x512xf32, #tpu.memory_space<vmem>>)
    return
  }
}

module attributes {stable_mosaic.version = 14 : i64} {
  func.func @_mu_tc_kernel(%arg0: i32, %arg1: memref<1024x512xf32, #tpu.memory_space<vmem>>, %arg2: memref<3x512x8xf32, #tpu.memory_space<vmem>>, %arg3: memref<1024x8xf32, #tpu.memory_space<vmem>>) attributes {dimension_semantics = [#tpu.dimension_semantics<arbitrary>], iteration_bounds = array<i64: 15>, scalar_prefetch = 0 : i64, scratch_operands = 0 : i64, tpu.core_type = #tpu.core_type<tc>, window_params = [{transform_indices = @transform_0, window_bounds = array<i64: 1024, 512>}, {pipeline_mode = #tpu.pipeline_mode<synchronous>, transform_indices = @transform_1, window_bounds = array<i64: 3, 512, 8>}, {transform_indices = @transform_2, window_bounds = array<i64: 1024, 8>}]} {
    %get3A = arith.constant 0 : index
    %get3A_0 = arith.constant 0 : index
    %get3A_1 = arith.constant 0 : index
    %get3A_2 = vector.load %arg2[%get3A, %get3A_0, %get3A_1] : memref<3x512x8xf32, #tpu.memory_space<vmem>>, vector<3x512x8xf32>
    %slice3A = vector.extract_strided_slice %get3A_2 {offsets = [0, 0, 0], sizes = [1, 512, 8], strides = [1, 1, 1]} : vector<3x512x8xf32> to vector<1x512x8xf32>
    %squeeze3A = vector.shape_cast %slice3A : vector<1x512x8xf32> to vector<512x8xf32>
    %slice3A_3 = vector.extract_strided_slice %get3A_2 {offsets = [1, 0, 0], sizes = [1, 512, 8], strides = [1, 1, 1]} : vector<3x512x8xf32> to vector<1x512x8xf32>
    %squeeze3A_4 = vector.shape_cast %slice3A_3 : vector<1x512x8xf32> to vector<512x8xf32>
    %sub3A = arith.subf %squeeze3A_4, %squeeze3A : vector<512x8xf32>
    %convert_element_type3A = arith.truncf %sub3A : vector<512x8xf32> to vector<512x8xbf16>
    %slice3A_5 = vector.extract_strided_slice %get3A_2 {offsets = [2, 0, 0], sizes = [1, 512, 8], strides = [1, 1, 1]} : vector<3x512x8xf32> to vector<1x512x8xf32>
    %squeeze3A_6 = vector.shape_cast %slice3A_5 : vector<1x512x8xf32> to vector<512x8xf32>
    %slice3A_7 = vector.extract_strided_slice %get3A_2 {offsets = [1, 0, 0], sizes = [1, 512, 8], strides = [1, 1, 1]} : vector<3x512x8xf32> to vector<1x512x8xf32>
    %squeeze3A_8 = vector.shape_cast %slice3A_7 : vector<1x512x8xf32> to vector<512x8xf32>
    %sub3A_9 = arith.subf %squeeze3A_6, %squeeze3A_8 : vector<512x8xf32>
    %convert_element_type3A_10 = arith.truncf %sub3A_9 : vector<512x8xf32> to vector<512x8xbf16>
    %reduce_sum3A = arith.constant dense<0.000000e+00> : vector<8xf32>
    %reduce_sum3A_11 = vector.multi_reduction <add>, %squeeze3A, %reduce_sum3A [0] : vector<512x8xf32> to vector<8xf32>
    %broadcast_in_dim3A = vector.shape_cast %reduce_sum3A_11 : vector<8xf32> to vector<1x8xf32>
    %get3A_12 = arith.constant 0 : index
    %get3A_13 = arith.constant 0 : index
    %get3A_14 = vector.load %arg1[%get3A_12, %get3A_13] : memref<1024x512xf32, #tpu.memory_space<vmem>>, vector<1024x512xf32>
    %gt3A = arith.constant -1.000000e-01 : f32
    %gt3A_15 = vector.broadcast %gt3A : f32 to vector<1024x512xf32>
    %gt3A_16 = arith.cmpf ogt, %get3A_14, %gt3A_15 : vector<1024x512xf32>
    %convert_element_type3A_17 = arith.extui %gt3A_16 : vector<1024x512xi1> to vector<1024x512xi32>
    %convert_element_type3A_18 = arith.sitofp %convert_element_type3A_17 : vector<1024x512xi32> to vector<1024x512xf32>
    %convert_element_type3A_19 = arith.truncf %convert_element_type3A_18 : vector<1024x512xf32> to vector<1024x512xbf16>
    %gt3A_20 = arith.constant 1.000000e-01 : f32
    %gt3A_21 = vector.broadcast %gt3A_20 : f32 to vector<1024x512xf32>
    %gt3A_22 = arith.cmpf ogt, %get3A_14, %gt3A_21 : vector<1024x512xf32>
    %convert_element_type3A_23 = arith.extui %gt3A_22 : vector<1024x512xi1> to vector<1024x512xi32>
    %convert_element_type3A_24 = arith.sitofp %convert_element_type3A_23 : vector<1024x512xi32> to vector<1024x512xf32>
    %convert_element_type3A_25 = arith.truncf %convert_element_type3A_24 : vector<1024x512xf32> to vector<1024x512xbf16>
    %dot_general3A = arith.constant dense<0.000000e+00> : vector<1024x8xf32>
    %dot_general3A_26 = tpu.matmul %convert_element_type3A_19, %convert_element_type3A, %dot_general3A {dimension_numbers = #tpu.dot_dimension_numbers<[1], [0], [0], [1], [0, 0, 1, 1], [], []>, transpose_lhs_hint = false} : vector<1024x512xbf16>, vector<512x8xbf16>, vector<1024x8xf32> -> vector<1024x8xf32>
    %dot_general3A_27 = arith.constant dense<0.000000e+00> : vector<1024x8xf32>
    %dot_general3A_28 = tpu.matmul %convert_element_type3A_25, %convert_element_type3A_10, %dot_general3A_27 {dimension_numbers = #tpu.dot_dimension_numbers<[1], [0], [0], [1], [0, 0, 1, 1], [], []>, transpose_lhs_hint = false} : vector<1024x512xbf16>, vector<512x8xbf16>, vector<1024x8xf32> -> vector<1024x8xf32>
    %add3A = arith.addf %dot_general3A_26, %dot_general3A_28 : vector<1024x8xf32>
    %add3A_29 = vector.broadcast %broadcast_in_dim3A : vector<1x8xf32> to vector<1024x8xf32>
    %add3A_30 = arith.addf %add3A, %add3A_29 : vector<1024x8xf32>
    %swap3A = arith.constant 0 : index
    %swap3A_31 = arith.constant 0 : index
    %swap3A_32 = vector.load %arg3[%swap3A, %swap3A_31] : memref<1024x8xf32, #tpu.memory_space<vmem>>, vector<1024x8xf32>
    tpu.vector_store %arg3[%swap3A, %swap3A_31], %add3A_30 {strides = array<i32>} : memref<1024x8xf32, #tpu.memory_space<vmem>>, vector<1024x8xf32>,
    return
  }
  func.func @transform_0(%arg0: i32) -> (i32, i32) {
    %add3A = arith.constant 1 : i32
    %add3A_0 = arith.addi %arg0, %add3A : i32
    %c0_i32 = arith.constant 0 : i32
    %c0_i32_1 = arith.constant 0 : i32
    return %add3A_0, %c0_i32 : i32, i32
  }
  func.func @transform_1(%arg0: i32) -> (i32, i32, i32) {
    %c0_i32 = arith.constant 0 : i32
    %c0_i32_0 = arith.constant 0 : i32
    %c0_i32_1 = arith.constant 0 : i32
    %c0_i32_2 = arith.constant 0 : i32
    return %c0_i32, %c0_i32_0, %c0_i32_1 : i32, i32, i32
  }
  func.func @transform_2(%arg0: i32) -> (i32, i32) {
    %c0_i32 = arith.constant 0 : i32
    %c0_i32_0 = arith.constant 0 : i32
    return %arg0, %c0_i32 : i32, i32
  }
}

</mosaic_0001>

<sc_bundles>
// kernel: kernel.4.cloned.1.call-start
scs
__scs_entry_jumppad:
0x0: {  	(pc) =	sbr.rel $0x88, $3  }
0x1: {  	(tag) =	ssettag $0x0;
	lr =	simm.s32 $0x1  }
0x2: {  	[smem:$0x3F9F] =	sst lr;
	_ =	strace $0xD0000000  }
0x3: {  	_ = 	snop  }
0x4: {  	_ = 	snop  }
0x5: {  	_ = 	snop  }
0x6: {  	_ = 	snop  }
0x7: {  	_ = 	snop  }
__scs_overlays_trampoline_lowered:
0x8: {  	[smem:$0x3FAE] =	sst s0  }
0x9: {  	[smem:$0x3FAF] =	sst s1  }
0xa: {  	[smem:$0x3FB0] =	sst s2  }
0xb: {  	[smem:$0x3FB1] =	sst s3  }
0xc: {  	[smem:$0x3FB2] =	sst s4  }
0xd: {  	[smem:$0x3FB3] =	sst s5  }
0xe: {  	[smem:$0x3FB4] =	sst s6  }
0xf: {  	[smem:$0x3FB5] =	sst s7  }
0x10: {  	[smem:$0x3FB6] =	sst s8  }
0x11: {  	[smem:$0x3FB7] =	sst s9;
	s0 =	simm.s32 @!p0 $0x0  }
0x12: {  	s1 =	sld [smem:$0x3F9D];
	s0 =	simm.s32 @p0 $0x1  }
0x13: {  	[smem:$0x3FB8] =	sst s0;
	s0 =	simm.s32 @!p1 $0x0  }
0x14: {  	s2 =	sld [smem:$0x3F9C];
	s0 =	simm.s32 @p1 $0x1  }
0x15: {  	[smem:$0x3FB9] =	sst s0;
	s0 =	simm.s32 @!p2 $0x0  }
0x16: {  	s3 =	sld [smem:$0x3FDB];
	s0 =	simm.s32 @p2 $0x1  }
0x17: {  	s4 =	simm.s32 $0x1BF5;
	[smem:$0x3FBB] =	sst s0  }
0x18: {  	s0 =	sld [smem:$0x3F9E];
	_ =	swait.ge [sflag:s4], $0x0  }
0x19: {  	s7 =	sld [smem:$0x3F9F]  }
0x1a: {  	s8 =	sadd.s32 $0xFFFFE003, lr  }
0x1b: {  	s9 =	sadd.s32 $0xFFFFFEF7, lr;
	s5 =	simm.s32 $0xFFFFFFFF;
	p2 =	slt.u32 s8, $0xFFFFF086  }
0x1c: {  	p1 =	slt.u32 s9, $0xF7A;
	s5 =	simm.s32 @!p2 $0x0  }
0x1d: {  	s5 =	simm.s32 @p1 $0x1;
	p0 =	seq.s32 s7, s2  }
0x1e: {  	s7 =	smul.u32 @!p0 $0xF7A, s2;
	p2 =	seq.s32 @!p0 s5, $0x0  }
0x1f: {  	s9 =	smul.u32 $0xF7A, s1;
	s8 =	simm.s32 @!p0 $0x1BF5;
	p2 =	por !p2, p0  }
0x20: {  	[sflag:s8] =	ssyncset.s32 @!p0 $0xFFFFF086;
	s6 =	sadd.s32 @!p0 s3, s7;
	s7 =	simm.s32 @!p0 $0x108  }
0x21: {  	s3 =	sadd.s32 s3, s9;
	s6 =	sadd.s32 @!p0 $0x88, s6;
	s7 =	simm.s32 @p2 $0x1082  }
0x22: {  	[simem:s7], [sflag:s8] =	dma.local @!p0 [hbm:s6], $0xF7A  }
0x23: {  	s9 =	sor.u32 $0xD0000000, s2;
	s6 =	simm.s32 $0x108;
	_ =	swait.ge @!p0 [sflag:s8], $0x0  }
0x24: {  	s3 =	sadd.s32 $0x88, s3;
	s6 =	simm.s32 @!p1 $0x1082;
	[sflag:s4] =	ssyncset.s32 $0xFFFFF086  }
0x25: {  	[simem:s6], [sflag:s4] =	dma.local [hbm:s3], $0xF7A  }
0x26: {  	[smem:$0x3F9F] =	sst s1;
	(tag) =	ssettag s2;
	_ =	strace s9  }
0x27: {  	s1 =	sld [smem:$0x3FAF]  }
0x28: {  	s2 =	sld [smem:$0x3FB0]  }
0x29: {  	s4 =	sld [smem:$0x3FB2]  }
0x2a: {  	p0 =	seq.s32 s5, $0x0;
	s5 =	sld [smem:$0x3FB3]  }
0x2b: {  	s6 =	sld [smem:$0x3FB4]  }
0x2c: {  	s7 =	sld [smem:$0x3FB5]  }
0x2d: {  	s3 =	simm.s32 $0x108;
	s8 =	sld [smem:$0x3FB6]  }
0x2e: {  	s3 =	simm.s32 @!p0 $0x1082;
	s9 =	sld [smem:$0x3FB7]  }
0x2f: {  	lr =	sadd.s32 s0, s3;
	s0 =	sld [smem:$0x3FAE]  }
0x30: {  	s3 =	sld [smem:$0x3FB1]  }
0x31: {  	[smem:$0x3FBA] =	sst s10  }
0x32: {  	s10 =	sld [smem:$0x3FB8];
	_ =	sdelay $0x3  }
0x33: {  	p0 =	seq.s32 s10, $0x1;
	s10 =	sld [smem:$0x3FBA];
	_ =	sdelay $0x3  }
0x34: {  	[smem:$0x3FBA] =	sst s10  }
0x35: {  	s10 =	sld [smem:$0x3FB9];
	_ =	sdelay $0x3  }
0x36: {  	p1 =	seq.s32 s10, $0x1;
	s10 =	sld [smem:$0x3FBA];
	_ =	sdelay $0x3  }
0x37: {  	[smem:$0x3FBA] =	sst s10  }
0x38: {  	s10 =	sld [smem:$0x3FBB]  }
0x39: {  	_ = 	snop;
	(pc) =	sbr.ind lr, $3  }
0x3a: {  	_ = 	snop  }
0x3b: {  	_ = 	snop  }
0x3c: {  	p2 =	seq.s32 s10, $0x1;
	s10 =	sld [smem:$0x3FBA]  }
0x3d: {  	_ =	shalt  }
0x3e: {  	_ =	shalt  }
0x3f: {  	_ =	shalt  }
0x40: {  	_ =	shalt  }
0x41: {  	_ =	shalt  }
0x42: {  	_ =	shalt  }
0x43: {  	_ =	shalt  }
0x44: {  	_ =	shalt  }
0x45: {  	_ =	shalt  }
0x46: {  	_ =	shalt  }
0x47: {  	_ =	shalt  }
0x48: {  	_ =	shalt  }
0x49: {  	_ =	shalt  }
0x4a: {  	_ =	shalt  }
0x4b: {  	_ =	shalt  }
0x4c: {  	_ =	shalt  }
0x4d: {  	_ =	shalt  }
0x4e: {  	_ =	shalt  }
0x4f: {  	_ =	shalt  }
0x50: {  	_ =	shalt  }
0x51: {  	_ =	shalt  }
0x52: {  	_ =	shalt  }
0x53: {  	_ =	shalt  }
0x54: {  	_ =	shalt  }
0x55: {  	_ =	shalt  }
0x56: {  	_ =	shalt  }
0x57: {  	_ =	shalt  }
0x58: {  	_ =	shalt  }
0x59: {  	_ =	shalt  }
0x5a: {  	_ =	shalt  }
0x5b: {  	_ =	shalt  }
0x5c: {  	_ =	shalt  }
0x5d: {  	_ =	shalt  }
0x5e: {  	_ =	shalt  }
0x5f: {  	_ =	shalt  }
0x60: {  	_ =	shalt  }
0x61: {  	_ =	shalt  }
0x62: {  	_ =	shalt  }
0x63: {  	_ =	shalt  }
0x64: {  	_ =	shalt  }
0x65: {  	_ =	shalt  }
0x66: {  	_ =	shalt  }
0x67: {  	_ =	shalt  }
0x68: {  	_ =	shalt  }
0x69: {  	_ =	shalt  }
0x6a: {  	_ =	shalt  }
0x6b: {  	_ =	shalt  }
0x6c: {  	_ =	shalt  }
0x6d: {  	_ =	shalt  }
0x6e: {  	_ =	shalt  }
0x6f: {  	_ =	shalt  }
0x70: {  	_ =	shalt  }
0x71: {  	_ =	shalt  }
0x72: {  	_ =	shalt  }
0x73: {  	_ =	shalt  }
0x74: {  	_ =	shalt  }
0x75: {  	_ =	shalt  }
0x76: {  	_ =	shalt  }
0x77: {  	_ =	shalt  }
0x78: {  	_ =	shalt  }
0x79: {  	_ =	shalt  }
0x7a: {  	_ =	shalt  }
0x7b: {  	_ =	shalt  }
0x7c: {  	_ =	shalt  }
0x7d: {  	_ =	shalt  }
0x7e: {  	_ =	shalt  }
0x7f: {  	_ =	shalt  }
0x80: {  	_ =	shalt  }
0x81: {  	_ =	shalt  }
0x82: {  	_ =	shalt  }
0x83: {  	_ =	shalt  }
0x84: {  	_ =	shalt  }
0x85: {  	_ =	shalt  }
0x86: {  	_ =	shalt  }
0x87: {  	_ =	shalt  }
.Lfunc_end0:
.L_simem_size_0:
called_computation_lowered:
.L_overlay_start_0:
0x88: {  	s2 =	sld [smem:$0x3FD9]  }
0x89: {  	s3 =	sld [smem:$0x3FFE];
	_ =	sdelay $0x1  }
0x8a: {  	s1 =	srdreg.scid  }
0x8b: {  	s0 =	sand.u32 $0x1, s1  }
0x8c: {  	s14 =	sshll.u32 s0, $0xA;
	s2 =	sadd.s32 s3, s2  }
0x8d: {  	s2 =	sadd.s32 s2, s14  }
0x8e: {  	[smem:$0x3FC6] =	sst s2  }
0x8f: {  	_ = 	snop  }
0x90: {  	s2 =	sld [smem:$0x3FD0];
	_ =	sdelay $0x2  }
0x91: {  	s4 =	simm.s32 $0xA;
	s5 =	simm.s32 $0x10;
	s15 =	sld [smem:$0x3FC9]  }
0x92: {  	[smem:s5], [sflag:s4] =	dma.local [hbm:s2], $0x1  }
0x93: {  	_ =	swait.eq [sflag:s4], $0x1  }
0x94: {  	[sflag:s4] =	ssyncset.done $0x0  }
0x95: {  	[sflag:s4] =	ssyncadd.s32 $0xFFFFFFFF  }
0x96: {  	s16 =	sld [smem:$0x10];
	(tm) =	ssettm $0x1  }
0x97: {  	s17 =	sld [smem:$0x3FFB];
	_ =	sdelay $0x3  }
0x98: {  	_ =	strace s17  }
0x99: {  	s4 =	sld [smem:$0x3FFC];
	_ =	sdelay $0x3  }
0x9a: {  	_ =	strace s4  }
0x9b: {  	s4 =	sld [smem:$0x3FFD];
	_ =	sdelay $0x3  }
0x9c: {  	_ =	strace s4  }
0x9d: {  	_ =	strace $0x8FFFFFFF  }
0x9e: {  	s18 =	sld [smem:$0x3FDB];
	_ =	sdelay $0x1  }
0x9f: {  	s19 =	simm.s32 $_scs_section_size  }
0xa0: {  	s6 =	simm.s32 $_size__tile_overlayer_lowered;
	s7 =	simm.s32 $_tile_overlayer_lowered  }
0xa1: {  	s22 =	simm.s32 $0x1BFF;
	s21 =	sshll.u32 s7, $0x1;
	s4 =	sadd.s32 s19, s18  }
0xa2: {  	s8 =	simm.s32 $0x0;
	s20 =	sshll.u32 s6, $0x1;
	s6 =	sadd.s32 s21, s4  }
0xa3: {  	[timem:s8], [sflag:s22] =	dma.local [hbm:s6], s20  }
0xa4: {  	_ =	swait.ge [sflag:s22], s20  }
0xa5: {  	s5 =	ssub.s32 $0x0, s20;
	[sflag:s22] =	ssyncset.done $0x0  }
0xa6: {  	[sflag:s22] =	ssyncadd.s32 s5;
	_ =	sdelay $0x1  }
0xa7: {  	s23 =	simm.s32 $0x1B8B  }
0xa8: {  	_ =	swait.ge [sflag:s23], $0x1  }
0xa9: {  	[sflag:s23] =	ssyncset.done $0x0  }
0xaa: {  	s25 =	simm.s32 $0x1B8E;
	s24 =	sld [smem:$0x3FFE];
	[sflag:s23] =	ssyncadd.s32 $0xFFFFFFFF  }
0xab: {  	s26 =	simm.s32 $execute0_lowered;
	[smem:$0x3FD2] =	sst s25  }
0xac: {  	s6 =	sshll.u32 s26, $0x1;
	_ =	strace $0x80000046;
	[dreg:$0x1] =	wrdreg $0xFFFFFFFF  }
0xad: {  	s28 =	simm.s32 $_size_execute0_lowered;
	s4 =	sadd.s32 s4, s6;
	[dreg:$0x0] =	wrdreg $0x0  }
0xae: {  	s6 =	sshll.u32 s28, $0x1;
	[dreg:$0x2] =	wrdreg s4  }
0xaf: {  	[dreg:$0x3] =	wrdreg s6  }
0xb0: {  	[dreg:$0x4] =	wrdreg $0xC0  }
0xb1: {  	_ =	task [dreg:s8], $0x5FFFF  }
0xb2: {  	[dreg:$0x1] =	wrdreg $0xFFFFFFFF  }
0xb3: {  	[dreg:$0x0] =	wrdreg $0x60  }
0xb4: {  	[dreg:$0x2] =	wrdreg s15  }
0xb5: {  	[dreg:$0x3] =	wrdreg s16  }
0xb6: {  	[dreg:$0x4] =	wrdreg s24  }
0xb7: {  	[dreg:$0x5] =	wrdreg $0x9  }
0xb8: {  	_ =	task.clear_ibuf [dreg:s8], $0x6FFFF;
	_ =	strace $0x90000046  }
0xb9: {  	s29 =	simm.s32 $0x9;
	_ =	strace $0x80000048  }
0xba: {  	_ =	swait.ge [sflag:s29], $0x1  }
0xbb: {  	[sflag:s29] =	ssyncadd.s32 $0xFFFFFFFF  }
0xbc: {  	_ =	strace $0x90000048  }
0xbd: {  	_ =	sfence  }
0xbe: {  	s30 =	sld [smem:$0x0];
	_ =	sdelay $0x2  }
0xbf: {  	s31 =	sshll.u32 s1, $0xD;
	s1 =	sshrl.u32 s1, $0x2  }
0xc0: {  	s3 =	sand.u32 $0x4000, s31;
	s1 =	sadd.s32 s1, s30  }
0xc1: {  	s0 =	sor.u32 s3, s0;
	s1 =	sshll.u32 s1, $0x11  }
0xc2: {  	s0 =	sor.u32 s1, s0  }
0xc3: {  	s0 =	sadd.s32 $0x8F2B, s0  }
0xc4: {  	[sflag:s0] =	ssyncadd.remote.s32 $0x1  }
0xc5: {  	_ =	sfence.sel $0xFFFF  }
0xc6: {  	[dreg:$0x0] =	wrdreg $0xFFFFFFFF;
	(pc) =	sbr.abs _section_cstart, $3  }
0xc7: {  	[dreg:$0x1] =	wrdreg $0xFFFFFFFF  }
0xc8: {  	_ =	task.clear_ibuf [dreg:s8], $0x2FFFF;
	_ =	strace $0x9FFFFFFF  }
0xc9: {  	(tm) =	ssettm $0x7FFFFFFF  }
tec
execute0_lowered:
.L_overlay_start_1:
0x0: {  	(tag) =	ssettag $0x1  }
0x1: {  	v0 =	vimm.s32 $0x1780;
	vm0 =	vcmask $0x300  }
0x2: {  	vm1 =	vcmask $0x704;
	v1 =	vimm.s32 $0x3F80;
	v0 =	vsel vm0, $0x0, v0  }
0x3: {  	vm2 =	vcmask $0xB08;
	v1 =	vsel vm0, $0x2800, v1;
	v0 =	vsel vm1, $0x80, v0  }
0x4: {  	vm3 =	vcmask $0xF0C;
	v1 =	vsel vm1, $0x2880, v1;
	v0 =	vsel vm2, $0x100, v0  }
0x5: {  	vm4 =	vcmask $0x1310;
	v1 =	vsel vm2, $0x2900, v1;
	v0 =	vsel vm3, $0x180, v0  }
0x6: {  	vm6 =	vcmask $0x1714;
	v1 =	vsel vm3, $0x2980, v1;
	v0 =	vsel vm4, $0x200, v0  }
0x7: {  	vm7 =	vcmask $0x1B18;
	v1 =	vsel vm4, $0x2A00, v1;
	v0 =	vsel vm6, $0x280, v0  }
0x8: {  	vm8 =	vcmask $0x1F1C;
	v1 =	vsel vm6, $0x2A80, v1;
	v0 =	vsel vm7, $0x300, v0  }
0x9: {  	vm5 =	vcmask $0x2320;
	v1 =	vsel vm7, $0x2B00, v1;
	v0 =	vsel vm8, $0x380, v0  }
0xa: {  	vm10 =	vcmask $0x2724;
	v1 =	vsel vm8, $0x2B80, v1;
	v0 =	vsel vm5, $0x1400, v0  }
0xb: {  	vm11 =	vcmask $0x2B28;
	v1 =	vsel vm5, $0x3C00, v1;
	v0 =	vsel vm10, $0x1480, v0  }
0xc: {  	s5 =	rddreg [dreg:$0x0];
	vm12 =	vcmask $0x2F2C;
	v3 =	vsel vm10, $0x3C80, v1;
	v0 =	vsel vm11, $0x1500, v0  }
0xd: {  	s0 =	rddreg [dreg:$0x1];
	vm13 =	vcmask $0x3330;
	v4 =	vsel vm11, $0x3D00, v3;
	v0 =	vsel vm12, $0x1580, v0  }
0xe: {  	s4 =	rddreg [dreg:$0x2];
	vm14 =	vcmask $0x3734;
	v6 =	vsel vm12, $0x3D80, v4;
	v0 =	vsel vm13, $0x1600, v0  }
0xf: {  	s1 =	rddreg [dreg:$0x3];
	s3 =	simm.s32 $0x0;
	vm15 =	vcmask $0x3B38;
	v8 =	vsel vm13, $0x3E00, v6;
	v2 =	vsel vm14, $0x1680, v0  }
0x10: {  	[smem:$0x7FF] =	sst s3;
	v0 =	vlaneseq.u32;
	v10 =	vsel vm14, $0x3E80, v8;
	v1 =	vsel vm15, $0x1700, v2  }
0x11: {  	s6 =	srdreg.scid;
	s2 =	stileid.u32;
	_ =	strace $0x80000047;
	v0 =	vmul.u32 $0x8, v0;
	v54 =	vsel vm15, $0x3F00, v10;
	[tilespmem:$0x1FFE0] =	vst v1  }
0x12: {  	s12 =	simm.s32 $0x1400;
	s13 =	simm.s32 $0x1;
	s14 =	simm.s32 $0x2800;
	[tilespmem:$0x1FFF0] =	vst v54  }
0x13: {  	s16 =	simm.s32 $0x3C00;
	s17 =	simm.s32 $0x8000;
	s18 =	simm.s32 $0x2;
	v3 =	vor.u32 $0x1, v0;
	[tilespmem:$0x1FFC0] =	vst v0  }
0x14: {  	s19 =	simm.s32 $0x0;
	s6 =	sand.u32 $0x1, s6;
	s7 =	sshll.u32 s2, $0x1;
	[tilespmem:$0x1FF60] =	vst v3;
	v3 =	vor.u32 $0x2, v0  }
0x15: {  	s8 =	sadd.s32 $0x600, s4;
	s7 =	sor.u32 s6, s7;
	s29 =	ssub.s32 $0x2, s6;
	[tilespmem:$0x1FF70] =	vst v3;
	v3 =	vor.u32 $0x3, v0  }
0x16: {  	s30 =	sshll.u32 s7, $0x5;
	s9 =	sshrl.u32 s29, $0x1;
	s7 =	sshll.u32 s7, $0xB;
	[tilespmem:$0x1FF80] =	vst v3;
	v3 =	vor.u32 $0x4, v0  }
0x17: {  	s10 =	sor.u32 $0x10, s30;
	s9 =	ssub.s32 s29, s9;
	s4 =	sadd.s32 s5, s7;
	[tilespmem:$0x1FF90] =	vst v3;
	v3 =	vor.u32 $0x5, v0  }
0x18: {  	s6 =	sadd.s32 s8, s30;
	s31 =	sshll.u32 s10, $0x6;
	s7 =	sadd.s32 s8, s10;
	[tilespmem:$0x1FFA0] =	vst v3;
	v3 =	vor.u32 $0x6, v0  }
0x19: {  	s8 =	smax.u32 s9, $0x1;
	s9 =	simm.s32 $0x5000;
	s5 =	sadd.s32 s5, s31;
	v0 =	vor.u32 $0x7, v0;
	[tilespmem:$0x1FFB0] =	vst v3  }
0x1a: {  	s10 =	simm.s32 $0x3;
	s11 =	sadd.s32 $0x200, s4;
	s15 =	sadd.s32 $0x200, s5;
	v2 =	vimm.s32 $0x0;
	[tilespmem:$0x1FFD0] =	vst v0  }
.LBB2_1:
0x1b: {  	[tilespmem:s9], [sflag:$0x3] =	stream.linear.gather [hbm4b:s0+s3], $0x3000, $0x38;
	[tilespmem:$0x8080] =	vst v63  }
0x1c: {  	_ =	swait.ge [sflag:s10], $0x3000  }
0x1d: {  	[sflag:s10] =	ssyncset.done $0x0  }
0x1e: {  	s20 =	simm.s32 $0x1;
	[sflag:s10] =	ssyncadd.s32 $0xFFFFD000  }
0x1f: {  	v11 =	vmov s20;
	[tilespmem:s3], [sflag:$0x1] =	stream.linear.gather [hbm4b:s4+s3], $0x1000, $0x38;
	[tilespmem:$0x8080] =	vst v63  }
0x20: {  	s28 =	simm.s32 $0x2;
	v12 =	vshll.u32 v11, $0x3  }
0x21: {  	v11 =	vand.u32 $0x79, v11;
	v12 =	vand.u32 $0xC00, v12;
	[tilespmem:s12], [sflag:$0x1] =	stream.linear.gather [hbm4b:s11+s3], $0x1000, $0x38;
	[tilespmem:$0x8080] =	vst v63  }
0x22: {  	v11 =	vor.u32 v11, v12;
	v12 =	vmov s28;
	_ =	swait.ge [sflag:s13], $0x2000  }
0x23: {  	v11 =	vadd.s32 v1, v11;
	v13 =	vshll.u32 v12, $0x3;
	[sflag:s13] =	ssyncset.done $0x0  }
0x24: {  	s29 =	simm.s32 $0x3;
	v12 =	vand.u32 $0x7A, v12;
	v13 =	vand.u32 $0xC00, v13;
	[sflag:s13] =	ssyncadd.s32 $0xFFFFE000  }
0x25: {  	v12 =	vor.u32 v12, v13;
	[tilespmem:s14], [sflag:$0x2] =	stream.linear.gather [hbm4b:s5+s3], $0x1000, $0x38;
	[tilespmem:$0x8080] =	vst v63  }
0x26: {  	v13 =	vmov s29;
	v12 =	vadd.s32 v1, v12  }
0x27: {  	v14 =	vshll.u32 v13, $0x3;
	[tilespmem:s16], [sflag:$0x2] =	stream.linear.gather [hbm4b:s15+s3], $0x1000, $0x38;
	[tilespmem:$0x8080] =	vst v63  }
0x28: {  	v13 =	vand.u32 $0x7B, v13;
	v14 =	vand.u32 $0xC00, v14;
	v11 =	vld.idx.msk [tilespmem:v11+s3+$0x0], $0xffff  }
0x29: {  	v13 =	vor.u32 v13, v14  }
0x2a: {  	v13 =	vadd.s32 v1, v13  }
0x2b: {  	v12 =	vld.idx.msk [tilespmem:v12+s3+$0x0], $0xffff;
	_ =	sdelay $0x1  }
0x2c: {  	vm0 =	vgt.f32 v11, $1.000000010e-01  }
0x2d: {  	s30 =	simm.s32 $0x3;
	vm1 =	vgt.f32 v11, $-1.000000010e-01;
	v11 =	vsel vm0, $0x1, v2  }
0x2e: {  	v13 =	vld.idx.msk [tilespmem:v13+s3+$0x0], $0xffff;
	v14 =	vsel vm1, $0x1, v2;
	v11 =	vadd.s32 s30, v11  }
0x2f: {  	vm14 =	vgt.f32 v12, $1.000000010e-01;
	vm15 =	vgt.f32 v12, $-1.000000010e-01;
	v11 =	vadd.s32 v14, v11  }
0x30: {  	s31 =	simm.s32 $0x6;
	v16 =	vsel vm14, $0x1, v2;
	v14 =	vand.u32 $0x7FF, v11;
	v15 =	vor.u32 $0x1800, v11  }
0x31: {  	v18 =	vsel vm15, $0x1, v2;
	v16 =	vor.u32 s31, v16;
	v17 =	vadd.s32 $0x1E00, v14  }
0x32: {  	v26 =	vadd.s32 v18, v16  }
0x33: {  	vm4 =	vgt.f32 v13, $1.000000010e-01;
	vm5 =	vgt.f32 v13, $-1.000000010e-01;
	v12 =	vadd.s32 $0x2A00, v14  }
0x34: {  	s22 =	simm.s32 $0x9;
	v27 =	vand.u32 $0xFFF, v26;
	v13 =	vsel vm4, $0x1, v2;
	v16 =	vadd.s32 $0x2400, v14  }
0x35: {  	v22 =	vsel vm5, $0x1, v2;
	v28 =	vadd.s32 $0x1E00, v27;
	v13 =	vadd.s32 s22, v13;
	v25 =	vld.idx.msk [tilespmem:v15+s9+$0x0], $0xffff  }
0x36: {  	s21 =	simm.s32 $0x4;
	v15 =	vadd.s32 $0x2400, v27;
	v20 =	vld.idx.msk [tilespmem:v17+s9+$0x0], $0xffff;
	v17 =	vadd.s32 v22, v13  }
0x37: {  	s24 =	simm.s32 $0x6;
	v34 =	vmov s3;
	v19 =	vmov s21;
	v23 =	vld.idx.msk [tilespmem:v11+s9+$0x0], $0xffff;
	v30 =	vand.u32 $0x7FF, v17  }
0x38: {  	v33 =	vmov s24;
	v18 =	vshll.u32 v19, $0x3;
	v24 =	vld.idx.msk [tilespmem:v12+s9+$0x0], $0xffff;
	v31 =	vadd.s32 $0x1200, v30  }
0x39: {  	v18 =	vand.u32 $0xC00, v18;
	v13 =	vand.u32 $0x7C, v19;
	v19 =	vadd.s32 $0x1200, v14;
	v22 =	vld.idx.msk [tilespmem:v16+s9+$0x0], $0xffff  }
0x3a: {  	v35 =	vshll.u32 v34, $0x3;
	v12 =	vadd.s32 $0x1200, v27;
	v28 =	vld.idx.msk [tilespmem:v28+s9+$0x0], $0xffff;
	v11 =	vor.u32 v13, v18  }
0x3b: {  	v50 =	vand.u32 $0x78, v34;
	v51 =	vand.u32 $0xC00, v35;
	v18 =	vld.idx.msk [tilespmem:v15+s9+$0x0], $0xffff;
	v15 =	vadd.s32 v1, v11  }
0x3c: {  	s23 =	simm.s32 $0x5;
	v21 =	vadd.s32 $0x600, v14;
	v29 =	vadd.s32 $0x2A00, v27;
	v32 =	vor.u32 $0x1800, v17;
	v10 =	vld.idx.msk [tilespmem:v17+s9+$0x0], $0xffff  }
0x3d: {  	v11 =	vmov s23;
	v17 =	vshll.u32 v33, $0x3;
	v7 =	vld.idx.msk [tilespmem:v31+s9+$0x0], $0xffff;
	v31 =	vadd.s32 $0x2400, v30  }
0x3e: {  	v16 =	vshll.u32 v11, $0x3;
	v4 =	vld.idx.msk [tilespmem:v19+s9+$0x0], $0xffff;
	v19 =	vand.u32 $0x7E, v33;
	v17 =	vand.u32 $0xC00, v17  }
0x3f: {  	v3 =	vld.idx.msk [tilespmem:v12+s9+$0x0], $0xffff;
	v12 =	vand.u32 $0x7D, v11;
	v16 =	vand.u32 $0xC00, v16;
	v17 =	vor.u32 v19, v17  }
0x40: {  	v12 =	vor.u32 v12, v16;
	v17 =	vadd.s32 v1, v17;
	v52 =	vld.idx.msk [tilespmem:v15+s3+$0x0], $0xffff;
	v15 =	vor.u32 v50, v51  }
0x41: {  	v36 =	vadd.s32 v1, v12;
	v12 =	vld.idx.msk [tilespmem:v32+s9+$0x0], $0xffff;
	v19 =	vadd.s32 v1, v15  }
0x42: {  	v0 =	vld.idx.msk [tilespmem:v31+s9+$0x0], $0xffff  }
0x43: {  	v32 =	vld.idx.msk [tilespmem:v21+s9+$0x0], $0xffff;
	v21 =	vadd.s32 $0xC00, v30  }
0x44: {  	v29 =	vld.idx.msk [tilespmem:v29+s9+$0x0], $0xffff  }
0x45: {  	v54 =	vadd.s32 $0x1E00, v30;
	v38 =	vld.idx.msk [tilespmem:v17+s3+$0x0], $0xffff;
	vm6 =	vgt.f32 v52, $-1.000000010e-01;
	vm7 =	vgt.f32 v52, $1.000000010e-01  }
0x46: {  	v37 =	vadd.s32 $0x600, v27;
	v55 =	vld.idx.msk [tilespmem:v19+s3+$0x0], $0xffff;
	v17 =	vsel vm6, $0x1, v2;
	v39 =	vsel vm7, $0x1, v2  }
0x47: {  	s25 =	simm.s32 $0x7;
	s26 =	simm.s32 $0xC;
	s28 =	simm.s32 $0x0;
	v53 =	vadd.s32 $0xC00, v14;
	v36 =	vld.idx.msk [tilespmem:v36+s3+$0x0], $0xffff;
	v31 =	vadd.s32 v39, v17;
	[tilespmem:$0x1FF50] =	vst v0  }
0x48: {  	v58 =	vmov s28;
	v19 =	vmov s25;
	v5 =	vld.idx.msk [tilespmem:v21+s9+$0x0], $0xffff;
	v21 =	vor.u32 s26, v31  }
0x49: {  	v57 =	vadd.s32 $0xC00, v27;
	v40 =	vadd.s32 $0x2A00, v30;
	v41 =	vshll.u32 v19, $0x3  }
0x4a: {  	v30 =	vadd.s32 $0x600, v30;
	v17 =	vand.u32 $0x7F, v19;
	v56 =	vand.u32 $0xC00, v41;
	v34 =	vld.idx.msk [tilespmem:v54+s9+$0x0], $0xffff  }
0x4b: {  	v17 =	vor.u32 v17, v56;
	v42 =	vld.idx.msk [tilespmem:v37+s9+$0x0], $0xffff;
	vm8 =	vgt.f32 v55, $-1.000000010e-01;
	vm9 =	vgt.f32 v55, $1.000000010e-01  }
0x4c: {  	v33 =	vld.idx.msk [tilespmem:v53+s9+$0x0], $0xffff;
	v39 =	vadd.s32 v1, v17;
	v17 =	vsel vm8, $0x1, v2;
	v35 =	vsel vm9, $0x1, v2  }
0x4d: {  	v35 =	vadd.s32 v35, v17;
	v17 =	vld.idx.msk [tilespmem:v21+s9+$0x0], $0xffff;
	v21 =	vand.u32 $0x7FB, v58  }
0x4e: {  	v40 =	vld.idx.msk [tilespmem:v40+s9+$0x0], $0xffff;
	v59 =	vor.u32 s28, v35;
	v35 =	vor.u32 v35, v21  }
0x4f: {  	v46 =	vimm.f32 $0.0e+00;
	v43 =	vmov s26;
	v41 =	vld.idx.msk [tilespmem:v57+s9+$0x0], $0xffff;
	v21 =	vadd.s32 $0xC00, v35  }
0x50: {  	v43 =	vand.u32 $0x7FF, v43;
	v27 =	vadd.s32 $0x1800, v27;
	v44 =	vld.idx.msk [tilespmem:v30+s9+$0x0], $0xffff;
	v30 =	vor.u32 $0x1800, v35  }
0x51: {  	v31 =	vor.u32 v31, v43;
	vm10 =	vgt.f32 v36, $1.000000010e-01;
	v26 =	vld.idx.msk [tilespmem:v26+s9+$0x0], $0xffff;
	v45 =	vadd.s32 $0x600, v35  }
0x52: {  	vm12 =	vgt.f32 v38, $1.000000010e-01;
	vm13 =	vgt.f32 v38, $-1.000000010e-01;
	v39 =	vld.idx.msk [tilespmem:v39+s3+$0x0], $0xffff;
	v38 =	vadd.s32 $0x2A00, v35  }
0x53: {  	vm11 =	vgt.f32 v36, $-1.000000010e-01;
	v60 =	vsel vm10, $0x1, v2;
	v49 =	vadd.s32 $0x2A00, v31;
	v62 =	vld.idx.msk [tilespmem:v59+s9+$0x0], $0xffff  }
0x54: {  	s29 =	simm.s32 $0xF;
	v61 =	vsel vm11, $0x1, v2;
	v47 =	vadd.s32 $0x600, v31;
	v48 =	vadd.s32 $0x1E00, v31;
	v50 =	vld.idx.msk [tilespmem:v21+s9+$0x0], $0xffff  }
0x55: {  	v51 =	vadd.s32 $0xC00, v31;
	v36 =	vadd.s32 s29, v60;
	v54 =	vadd.s32 $0x1E00, v35;
	v30 =	vld.idx.msk [tilespmem:v30+s9+$0x0], $0xffff  }
0x56: {  	s30 =	simm.s32 $0x12;
	v52 =	vadd.s32 $0x1200, v31;
	v36 =	vadd.s32 v61, v36;
	v21 =	vsel vm12, $0x1, v2;
	v45 =	vld.idx.msk [tilespmem:v45+s9+$0x0], $0xffff  }
0x57: {  	v63 =	vsel vm13, $0x1, v2;
	v53 =	vand.u32 $0xFFF, v36;
	v38 =	vld.idx.msk [tilespmem:v38+s9+$0x0], $0xffff;
	v55 =	vor.u32 s30, v21  }
0x58: {  	v56 =	vadd.s32 $0x1200, v35;
	v37 =	vadd.s32 v63, v55;
	v55 =	vld.idx.msk [tilespmem:v49+s9+$0x0], $0xffff;
	v57 =	vadd.f32 v62, v46  }
0x59: {  	v61 =	vadd.s32 $0x1E00, v53;
	v58 =	vadd.s32 $0x2400, v35;
	vm14 =	vgt.f32 v39, $1.000000010e-01;
	v49 =	vld.idx.msk [tilespmem:v47+s9+$0x0], $0xffff  }
0x5a: {  	vm15 =	vgt.f32 v39, $-1.000000010e-01;
	v47 =	vld.idx.msk [tilespmem:v54+s9+$0x0], $0xffff;
	v60 =	vand.u32 $0x7FF, v37;
	v23 =	vadd.f32 v23, v57  }
0x5b: {  	v27 =	vld.idx.msk [tilespmem:v27+s9+$0x0], $0xffff;
	v39 =	vadd.s32 $0x1E00, v60;
	v59 =	vadd.f32 v50, v46;
	v30 =	vadd.f32 v30, v46  }
0x5c: {  	v21 =	vld.idx.msk [tilespmem:v36+s9+$0x0], $0xffff;
	v36 =	vadd.s32 $0x2A00, v60;
	v38 =	vadd.f32 v38, v46;
	v23 =	vadd.f32 v26, v23  }
0x5d: {  	v54 =	vadd.s32 $0x2400, v53;
	v62 =	vld.idx.msk [tilespmem:v56+s9+$0x0], $0xffff;
	v26 =	vadd.f32 v45, v46;
	v33 =	vadd.f32 v33, v59  }
0x5e: {  	v35 =	vadd.s32 $0xC00, v53;
	v50 =	vld.idx.msk [tilespmem:v52+s9+$0x0], $0xffff;
	v25 =	vadd.f32 v25, v30;
	v24 =	vadd.f32 v24, v38  }
0x5f: {  	v63 =	vadd.s32 $0x600, v53;
	v30 =	vld.idx.msk [tilespmem:v58+s9+$0x0], $0xffff;
	v52 =	vadd.f32 v47, v46;
	v32 =	vadd.f32 v32, v26  }
0x60: {  	v57 =	vadd.f32 v41, v33;
	v41 =	vor.u32 $0x1800, v31;
	v26 =	vld.idx.msk [tilespmem:v39+s9+$0x0], $0xffff;
	v33 =	vadd.f32 v27, v25  }
0x61: {  	s31 =	simm.s32 $0x15;
	v25 =	vsel vm14, $0x1, v2;
	v31 =	vadd.s32 $0x2400, v31;
	v39 =	vld.idx.msk [tilespmem:v36+s9+$0x0], $0xffff;
	v20 =	vadd.f32 v20, v52  }
0x62: {  	v27 =	vsel vm15, $0x1, v2;
	v58 =	vadd.f32 v29, v24;
	v24 =	vld.idx.msk [tilespmem:v54+s9+$0x0], $0xffff;
	v25 =	vadd.s32 s31, v25  }
0x63: {  	v38 =	vadd.s32 $0x600, v60;
	v27 =	vadd.s32 v27, v25;
	v25 =	vld.idx.msk [tilespmem:v37+s9+$0x0], $0xffff;
	v45 =	vadd.f32 v28, v20  }
0x64: {  	v59 =	vadd.f32 v62, v46;
	v62 =	vadd.s32 $0xC00, v60;
	v56 =	vadd.f32 v30, v46;
	v30 =	vld.idx.msk [tilespmem:v63+s9+$0x0], $0xffff  }
0x65: {  	v36 =	vadd.s32 $0x1800, v53;
	v32 =	vadd.f32 v42, v32;
	v45 =	vadd.f32 v34, v45;
	v34 =	vld.idx.msk [tilespmem:v51+s9+$0x0], $0xffff  }
0x66: {  	v42 =	vadd.s32 $0x1200, v53;
	v46 =	vadd.s32 $0x2A00, v53;
	v63 =	vand.u32 $0xFFF, v27;
	v43 =	vld.idx.msk [tilespmem:v41+s9+$0x0], $0xffff  }
0x67: {  	v40 =	vadd.f32 v40, v58;
	v52 =	vadd.s32 $0xC00, v63;
	v47 =	vadd.s32 $0x1E00, v63;
	v29 =	vld.idx.msk [tilespmem:v31+s9+$0x0], $0xffff  }
0x68: {  	v58 =	vadd.s32 $0x2A00, v63;
	v22 =	vadd.f32 v22, v56;
	v31 =	vadd.f32 v44, v32;
	v44 =	vld.idx.msk [tilespmem:v48+s9+$0x0], $0xffff  }
0x69: {  	v53 =	vadd.s32 $0x600, v63;
	v56 =	vadd.s32 $0x1200, v60;
	v32 =	vld.idx.msk [tilespmem:v62+s9+$0x0], $0xffff;
	v41 =	vadd.s32 $0x2400, v60  }
0x6a: {  	v22 =	vadd.f32 v18, v22;
	v28 =	vadd.f32 v49, v31;
	v49 =	vadd.s32 $0x1200, v63;
	v31 =	vld.idx.msk [tilespmem:v61+s9+$0x0], $0xffff  }
0x6b: {  	s20 =	simm.s32 $0x2D;
	s23 =	simm.s32 $0x8;
	v62 =	vmovc v1;
	v18 =	vadd.f32 v55, v40;
	v40 =	vadd.s32 $0x2400, v63;
	v20 =	vld.idx.msk [tilespmem:v46+s9+$0x0], $0xffff;
	v46 =	vadd.s32 $0x1800, v63  }
.LBB2_2:
0x6c: {  	_ =	sdelay $0x2  }
0x6d: {  	v44 =	vadd.f32 v44, v45  }
0x6e: {  	s24 =	sadd.s32 $0x1, s23;
	v47 =	vld.idx.msk [tilespmem:v47+s9+$0x0], $0xffff  }
0x6f: {  	v51 =	vmov s24;
	v31 =	vadd.f32 v31, v44  }
0x70: {  	v48 =	vld.idx.msk [tilespmem:v58+s9+$0x0], $0xffff;
	v58 =	vand.u32 $0x79, v51  }
0x71: {  	v51 =	vshll.u32 v51, $0x3;
	v18 =	vadd.f32 v20, v18;
	v26 =	vadd.f32 v26, v31  }
0x72: {  	v16 =	vadd.f32 v4, v59;
	v51 =	vand.u32 $0xC00, v51  }
0x73: {  	v35 =	vld.idx.msk [tilespmem:v35+s9+$0x0], $0xffff;
	v59 =	vor.u32 v58, v51;
	v31 =	vadd.f32 v39, v18;
	v0 =	vadd.f32 v47, v26  }
0x74: {  	v19 =	vadd.f32 v5, v57;
	v13 =	vadd.f32 v3, v16;
	v16 =	vld.idx.msk [tilespmem:v42+s9+$0x0], $0xffff;
	v42 =	vadd.s32 v62, v59  }
0x75: {  	s25 =	sadd.s32 $0x2, s23;
	v37 =	vor.u32 $0x1800, v37;
	v36 =	vld.idx.msk [tilespmem:v36+s9+$0x0], $0xffff;
	v11 =	vadd.f32 v10, v23;
	[tilespmem:$0x1FEE0] =	vst v0;
	v0 =	vadd.f32 v48, v31  }
0x76: {  	v54 =	vmov s25;
	v13 =	vadd.f32 v7, v13;
	v15 =	vadd.f32 v34, v19;
	v19 =	vld.idx.msk [tilespmem:v56+s9+$0x0], $0xffff  }
0x77: {  	v12 =	vadd.f32 v12, v33;
	v2 =	vimm.s32 $0x0;
	v55 =	vand.u32 $0x7A, v54;
	[tilespmem:$0x1FEC0] =	vst v0;
	v0 =	vld [tilespmem:$0x1FF50]  }
0x78: {  	v60 =	vld.idx.msk [tilespmem:v52+s9+$0x0], $0xffff;
	v54 =	vshll.u32 v54, $0x3;
	v11 =	vadd.f32 v17, v11;
	v13 =	vadd.f32 v50, v13  }
0x79: {  	v20 =	vand.u32 $0xC00, v54;
	v12 =	vadd.f32 v43, v12;
	v15 =	vadd.f32 v35, v15;
	v31 =	vld.idx.msk [tilespmem:v42+s3+$0x0], $0xffff  }
0x7a: {  	s22 =	smov.u32 s23;
	v61 =	vld.idx.msk [tilespmem:v53+s9+$0x0], $0xffff;
	v11 =	vadd.f32 v21, v11;
	v18 =	vor.u32 v55, v20;
	v13 =	vadd.f32 v16, v13  }
0x7b: {  	v63 =	vld.idx.msk [tilespmem:v49+s9+$0x0], $0xffff;
	s25 =	sadd.s32 $0x3, s22;
	v12 =	vadd.f32 v36, v12;
	v15 =	vadd.f32 v32, v15;
	v45 =	vadd.s32 v62, v18  }
0x7c: {  	v17 =	vld.idx.msk [tilespmem:v37+s9+$0x0], $0xffff;
	v26 =	vmov s25;
	v13 =	vadd.f32 v19, v13;
	v14 =	vadd.f32 v0, v22  }
0x7d: {  	v23 =	vadd.f32 v60, v15;
	v19 =	vld.idx.msk [tilespmem:v41+s9+$0x0], $0xffff;
	v49 =	vshll.u32 v26, $0x3;
	v26 =	vand.u32 $0x7B, v26  }
0x7e: {  	v27 =	vld.idx.msk [tilespmem:v27+s9+$0x0], $0xffff;
	v15 =	vand.u32 $0xC00, v49;
	vm1 =	vgt.f32 v31, $1.000000010e-01;
	v14 =	vadd.f32 v29, v14  }
0x7f: {  	v16 =	vld.idx.msk [tilespmem:v46+s9+$0x0], $0xffff;
	v15 =	vor.u32 v26, v15;
	vm0 =	vgt.f32 v31, $-1.000000010e-01;
	v26 =	vsel vm1, $0x1, v2  }
0x80: {  	s28 =	sadd.s32 $0xFFFFFFEE, s20;
	v50 =	vld.idx.msk [tilespmem:v38+s9+$0x0], $0xffff;
	v0 =	vadd.f32 v63, v13;
	v13 =	vadd.s32 v62, v15;
	v14 =	vadd.f32 v24, v14  }
0x81: {  	v21 =	vadd.f32 v30, v28;
	v28 =	vld.idx.msk [tilespmem:v45+s3+$0x0], $0xffff;
	v26 =	vadd.s32 s28, v26;
	v24 =	vsel vm0, $0x1, v2  }
0x82: {  	s26 =	sadd.s32 $0x4, s22;
	v12 =	vadd.f32 v17, v12;
	v15 =	vld.idx.msk [tilespmem:v40+s9+$0x0], $0xffff;
	v14 =	vadd.f32 v19, v14;
	v19 =	vadd.s32 v24, v26  }
0x83: {  	v51 =	vmov s26;
	v31 =	vand.u32 $0x7FF, v19  }
0x84: {  	v11 =	vadd.f32 v25, v11;
	v25 =	vadd.f32 v16, v12;
	v12 =	vadd.s32 $0x2A00, v31  }
0x85: {  	v52 =	vshll.u32 v51, $0x3;
	v21 =	vadd.f32 v50, v21;
	v13 =	vld.idx.msk [tilespmem:v13+s3+$0x0], $0xffff  }
0x86: {  	v30 =	vadd.f32 v27, v11;
	vm14 =	vgt.f32 v28, $-1.000000010e-01;
	vm15 =	vgt.f32 v28, $1.000000010e-01  }
0x87: {  	[tilespmem:$0x1FED0] =	vst v0;
	v26 =	vadd.f32 v61, v21;
	v21 =	vsel vm14, $0x1, v2;
	v0 =	vadd.f32 v15, v14  }
0x88: {  	s29 =	sadd.s32 $0xFFFFFFF1, s20;
	v29 =	vor.u32 $0x1800, v19;
	v14 =	vadd.s32 $0x600, v31;
	v15 =	vsel vm15, $0x1, v2  }
0x89: {  	v11 =	vadd.s32 $0x1E00, v31;
	v16 =	vadd.s32 $0x2400, v31;
	v15 =	vor.u32 s29, v15;
	[tilespmem:$0x1FF00] =	vst v0;
	v0 =	vld.idx.msk [tilespmem:v12+s9+$0x0], $0xffff  }
0x8a: {  	v21 =	vadd.s32 v21, v15;
	vm4 =	vgt.f32 v13, $-1.000000010e-01;
	vm5 =	vgt.f32 v13, $1.000000010e-01  }
0x8b: {  	v13 =	vand.u32 $0xFFF, v21;
	v15 =	vsel vm5, $0x1, v2;
	v39 =	vld.idx.msk [tilespmem:v19+s9+$0x0], $0xffff;
	v19 =	vadd.s32 $0x1200, v31  }
0x8c: {  	v36 =	vadd.s32 $0x600, v13;
	v35 =	vadd.s32 $0xC00, v13;
	v37 =	vadd.s32 $0x2A00, v13  }
0x8d: {  	s30 =	sadd.s32 $0xFFFFFFF4, s20;
	v27 =	vadd.s32 $0x1800, v13;
	v53 =	vadd.s32 $0x1E00, v13;
	v54 =	vadd.s32 $0x2400, v13  }
0x8e: {  	v15 =	vadd.s32 s30, v15;
	v12 =	vadd.s32 $0x1200, v13;
	v13 =	vsel vm4, $0x1, v2;
	[tilespmem:$0x1FEF0] =	vst v0;
	v0 =	vld.idx.msk [tilespmem:v11+s9+$0x0], $0xffff  }
0x8f: {  	v11 =	vadd.s32 v13, v15;
	v13 =	vand.u32 $0x7C, v51;
	v15 =	vand.u32 $0xC00, v52  }
0x90: {  	v33 =	vld.idx.msk [tilespmem:v29+s9+$0x0], $0xffff;
	v13 =	vor.u32 v13, v15  }
0x91: {  	v43 =	vld.idx.msk [tilespmem:v14+s9+$0x0], $0xffff;
	v15 =	vadd.s32 v62, v13  }
0x92: {  	s26 =	sadd.s32 $0x6, s22;
	v5 =	vld.idx.msk [tilespmem:v21+s9+$0x0], $0xffff;
	v55 =	vor.u32 $0x1800, v11  }
0x93: {  	v56 =	vmov s26;
	s25 =	sadd.s32 $0x5, s22;
	[tilespmem:$0x1FF10] =	vst v0;
	v0 =	vld.idx.msk [tilespmem:v16+s9+$0x0], $0xffff  }
0x94: {  	v58 =	vshll.u32 v56, $0x3;
	v32 =	vld.idx.msk [tilespmem:v19+s9+$0x0], $0xffff;
	v16 =	vmov s25  }
0x95: {  	v59 =	vand.u32 $0xC00, v58;
	v19 =	vand.u32 $0x7E, v56;
	v34 =	vld.idx.msk [tilespmem:v12+s9+$0x0], $0xffff;
	v12 =	vshll.u32 v16, $0x3  }
0x96: {  	v57 =	vand.u32 $0x7D, v16;
	v12 =	vand.u32 $0xC00, v12;
	v61 =	vld.idx.msk [tilespmem:v15+s3+$0x0], $0xffff;
	v15 =	vor.u32 v19, v59  }
0x97: {  	v60 =	vmov s22;
	v28 =	vld.idx.msk [tilespmem:v55+s9+$0x0], $0xffff;
	v12 =	vor.u32 v57, v12;
	v55 =	vadd.s32 v62, v15  }
0x98: {  	v63 =	vadd.s32 v62, v12;
	[tilespmem:$0x1FF20] =	vst v0;
	v0 =	vld.idx.msk [tilespmem:v54+s9+$0x0], $0xffff;
	v54 =	vshll.u32 v60, $0x3  }
0x99: {  	s28 =	sadd.s32 $0x7, s22;
	v44 =	vld.idx.msk [tilespmem:v37+s9+$0x0], $0xffff;
	v41 =	vand.u32 $0x7FF, v11;
	v19 =	vand.u32 $0x78, v60;
	v56 =	vand.u32 $0xC00, v54  }
0x9a: {  	v48 =	vmov s28;
	v3 =	vld.idx.msk [tilespmem:v27+s9+$0x0], $0xffff;
	v38 =	vadd.s32 $0x1200, v41;
	v19 =	vor.u32 v19, v56  }
0x9b: {  	v58 =	vshll.u32 v48, $0x3;
	v29 =	vld.idx.msk [tilespmem:v11+s9+$0x0], $0xffff;
	v59 =	vadd.s32 v62, v19  }
0x9c: {  	v17 =	vadd.s32 $0xC00, v31;
	v14 =	vand.u32 $0x7F, v48;
	v40 =	vadd.s32 $0xC00, v41;
	v49 =	vld.idx.msk [tilespmem:v55+s3+$0x0], $0xffff  }
0x9d: {  	v42 =	vadd.s32 $0x600, v41;
	v45 =	vadd.s32 $0x1E00, v41;
	v46 =	vadd.s32 $0x2A00, v41;
	v37 =	vld.idx.msk [tilespmem:v63+s3+$0x0], $0xffff  }
0x9e: {  	v57 =	vadd.s32 $0x2400, v41;
	vm6 =	vgt.f32 v61, $-1.000000010e-01;
	vm7 =	vgt.f32 v61, $1.000000010e-01;
	[tilespmem:$0x1FF40] =	vst v0;
	v0 =	vld.idx.msk [tilespmem:v53+s9+$0x0], $0xffff  }
0x9f: {  	s31 =	sadd.s32 $0xFFFFFFEB, s20;
	v24 =	vld.idx.msk [tilespmem:v38+s9+$0x0], $0xffff;
	v41 =	vand.u32 $0xC00, v58;
	v60 =	vsel vm6, $0x1, v2;
	v50 =	vsel vm7, $0x1, v2  }
0xa0: {  	v47 =	vmov s31;
	s29 =	sadd.s32 $0xFFFFFFF7, s20;
	v14 =	vor.u32 v14, v41;
	v38 =	vadd.s32 v50, v60;
	v50 =	vld.idx.msk [tilespmem:v59+s3+$0x0], $0xffff  }
0xa1: {  	v47 =	vand.u32 $0x7FB, v47;
	v22 =	vld.idx.msk [tilespmem:v40+s9+$0x0], $0xffff;
	v41 =	vadd.s32 v62, v14;
	v61 =	vmov s29  }
0xa2: {  	v54 =	vld.idx.msk [tilespmem:v46+s9+$0x0], $0xffff;
	v63 =	vand.u32 $0x7FF, v61;
	v52 =	vor.u32 s29, v38;
	vm10 =	vgt.f32 v49, $1.000000010e-01  }
0xa3: {  	vm8 =	vgt.f32 v37, $1.000000010e-01;
	vm9 =	vgt.f32 v37, $-1.000000010e-01;
	[tilespmem:$0x1FF30] =	vst v0;
	v0 =	vld.idx.msk [tilespmem:v57+s9+$0x0], $0xffff;
	v57 =	vor.u32 v38, v63  }
0xa4: {  	v60 =	vld.idx.msk [tilespmem:v17+s9+$0x0], $0xffff;
	v17 =	vsel vm8, $0x1, v2;
	v53 =	vsel vm9, $0x1, v2;
	v38 =	vadd.s32 $0x600, v57  }
0xa5: {  	s30 =	sadd.s32 $0xFFFFFFFA, s20;
	v55 =	vld.idx.msk [tilespmem:v36+s9+$0x0], $0xffff;
	v40 =	vadd.s32 $0x2A00, v57;
	vm12 =	vgt.f32 v50, $-1.000000010e-01;
	vm13 =	vgt.f32 v50, $1.000000010e-01  }
0xa6: {  	v41 =	vld.idx.msk [tilespmem:v41+s3+$0x0], $0xffff;
	v56 =	vadd.s32 s30, v17;
	v58 =	vsel vm12, $0x1, v2;
	v63 =	vsel vm13, $0x1, v2  }
0xa7: {  	vm11 =	vgt.f32 v49, $-1.000000010e-01;
	v20 =	vld.idx.msk [tilespmem:v52+s9+$0x0], $0xffff;
	v36 =	vadd.s32 v53, v56;
	v49 =	vadd.s32 v63, v58  }
0xa8: {  	v63 =	vld.idx.msk [tilespmem:v42+s9+$0x0], $0xffff;
	v52 =	vor.u32 s31, v49;
	v42 =	vor.u32 v49, v47  }
0xa9: {  	v61 =	vld.idx.msk [tilespmem:v35+s9+$0x0], $0xffff;
	v27 =	vadd.s32 $0x600, v42  }
0xaa: {  	v37 =	vsel vm11, $0x1, v2;
	v46 =	vsel vm10, $0x1, v2;
	v8 =	vld.idx.msk [tilespmem:v40+s9+$0x0], $0xffff;
	v53 =	vadd.s32 $0xC00, v42  }
0xab: {  	vm14 =	vgt.f32 v41, $1.000000010e-01;
	vm15 =	vgt.f32 v41, $-1.000000010e-01;
	v9 =	vld.idx.msk [tilespmem:v38+s9+$0x0], $0xffff;
	v47 =	vor.u32 $0x1800, v42  }
0xac: {  	v59 =	vadd.s32 $0x1200, v57;
	v50 =	vand.u32 $0xFFF, v36;
	v49 =	vadd.s32 $0x2A00, v42;
	v4 =	vld.idx.msk [tilespmem:v36+s9+$0x0], $0xffff  }
0xad: {  	v21 =	vadd.s32 $0x2400, v57;
	v31 =	vadd.s32 $0x1E00, v50;
	s31 =	sadd.s32 $0xFFFFFFFD, s20;
	v56 =	vadd.s32 $0x1E00, v42;
	v40 =	vld.idx.msk [tilespmem:v52+s9+$0x0], $0xffff  }
0xae: {  	v35 =	vadd.s32 $0xC00, v50;
	v6 =	vadd.s32 $0x1200, v42;
	v46 =	vor.u32 s31, v46;
	v1 =	vld.idx.msk [tilespmem:v27+s9+$0x0], $0xffff  }
0xaf: {  	v18 =	vadd.s32 $0x2A00, v50;
	v7 =	vadd.s32 $0x2400, v42;
	v37 =	vadd.s32 v37, v46;
	v10 =	vld.idx.msk [tilespmem:v53+s9+$0x0], $0xffff  }
0xb0: {  	[tilespmem:$0x1FF50] =	vst v0;
	v0 =	vadd.s32 $0x2400, v50;
	v58 =	vsel vm14, $0x1, v2;
	v41 =	vand.u32 $0x7FF, v37;
	v13 =	vld.idx.msk [tilespmem:v47+s9+$0x0], $0xffff  }
0xb1: {  	v38 =	vadd.s32 s20, v58;
	v11 =	vadd.s32 $0x1E00, v41;
	v27 =	vsel vm15, $0x1, v2;
	v16 =	vld.idx.msk [tilespmem:v49+s9+$0x0], $0xffff  }
0xb2: {  	v42 =	vadd.s32 $0x1200, v50;
	v12 =	vadd.s32 $0x2A00, v41;
	v17 =	vld.idx.msk [tilespmem:v56+s9+$0x0], $0xffff;
	v27 =	vadd.s32 v27, v38  }
0xb3: {  	v36 =	vadd.s32 $0x1800, v50;
	v6 =	vld.idx.msk [tilespmem:v6+s9+$0x0], $0xffff;
	v2 =	vadd.s32 $0x600, v50;
	v15 =	vand.u32 $0xFFF, v27  }
0xb4: {  	v7 =	vld.idx.msk [tilespmem:v7+s9+$0x0], $0xffff;
	v52 =	vadd.s32 $0xC00, v15;
	v47 =	vadd.s32 $0x1E00, v15;
	v58 =	vadd.s32 $0x2A00, v15  }
0xb5: {  	v50 =	vld.idx.msk [tilespmem:v59+s9+$0x0], $0xffff;
	v53 =	vadd.s32 $0x600, v15;
	v30 =	vadd.f32 v40, v30;
	v10 =	vadd.f32 v10, v23  }
0xb6: {  	v49 =	vadd.s32 $0x1200, v15;
	v1 =	vadd.f32 v1, v26;
	v26 =	vld.idx.msk [tilespmem:v11+s9+$0x0], $0xffff;
	v11 =	vadd.f32 v13, v25  }
0xb7: {  	v46 =	vadd.s32 $0x1800, v15;
	v40 =	vadd.s32 $0x2400, v15;
	v15 =	vadd.f32 v39, v30;
	v39 =	vld.idx.msk [tilespmem:v12+s9+$0x0], $0xffff  }
0xb8: {  	v13 =	vadd.f32 v33, v11;
	v11 =	vld [tilespmem:$0x1FED0]  }
0xb9: {  	v23 =	vadd.f32 v5, v15;
	v5 =	vadd.f32 v60, v10;
	v10 =	vmov v29;
	v29 =	vld.idx.msk [tilespmem:v21+s9+$0x0], $0xffff  }
0xba: {  	v21 =	vmov v4;
	v4 =	vld [tilespmem:$0x1FF00]  }
0xbb: {  	v12 =	vld [tilespmem:$0x1FEC0]  }
0xbc: {  	v30 =	vld.idx.msk [tilespmem:v2+s9+$0x0], $0xffff  }
0xbd: {  	v2 =	vld [tilespmem:$0x1FEE0]  }
0xbe: {  	v33 =	vadd.f32 v3, v13;
	v3 =	vld [tilespmem:$0x1FEF0]  }
0xbf: {  	v59 =	vadd.f32 v6, v11;
	v6 =	vadd.f32 v7, v4;
	v7 =	vmov v24;
	v24 =	vld.idx.msk [tilespmem:v0+s9+$0x0], $0xffff  }
0xc0: {  	v0 =	vld [tilespmem:$0x1FF10]  }
0xc1: {  	v12 =	vadd.f32 v16, v12;
	_ =	sdelay $0x1  }
0xc2: {  	v2 =	vadd.f32 v17, v2;
	v3 =	vadd.f32 v3, v12;
	_ =	sdelay $0x1  }
0xc3: {  	v0 =	vadd.f32 v0, v2;
	v2 =	vadd.f32 v44, v3;
	v3 =	vld [tilespmem:$0x1FF20];
	_ =	sdelay $0x4  }
0xc4: {  	v11 =	vadd.f32 v3, v6;
	v6 =	vld [tilespmem:$0x1FF30]  }
0xc5: {  	v19 =	vor.u32 $0x1800, v57  }
0xc6: {  	v45 =	vld.idx.msk [tilespmem:v45+s9+$0x0], $0xffff  }
0xc7: {  	v31 =	vld.idx.msk [tilespmem:v31+s9+$0x0], $0xffff;
	v14 =	vadd.s32 $0xC00, v41;
	v1 =	vadd.f32 v43, v1  }
0xc8: {  	v51 =	vadd.s32 $0x1E00, v57;
	v25 =	vld.idx.msk [tilespmem:v37+s9+$0x0], $0xffff  }
0xc9: {  	p0 =	slt.u32 s23, $0x1F8;
	v48 =	vadd.s32 $0xC00, v57;
	v1 =	vadd.f32 v55, v1;
	v0 =	vadd.f32 v6, v0;
	v6 =	vld [tilespmem:$0x1FF40]  }
.Ltmp0:
0xca: {  	v43 =	vld.idx.msk [tilespmem:v19+s9+$0x0], $0xffff;
	(pc) =	sbr.rel @p0 .LBB2_2-.Ltmp0, $4  }
0xcb: {  	v17 =	vmov v20;
	v1 =	vadd.f32 v63, v1;
	v20 =	vld.idx.msk [tilespmem:v18+s9+$0x0], $0xffff;
	v2 =	vadd.f32 v54, v2  }
0xcc: {  	v56 =	vadd.s32 $0x1200, v41;
	v38 =	vadd.s32 $0x600, v41;
	v57 =	vadd.f32 v61, v5;
	v4 =	vmovc v32;
	v32 =	vld.idx.msk [tilespmem:v14+s9+$0x0], $0xffff  }
0xcd: {  	s21 =	sadd.s32 $0x8, s23;
	v41 =	vadd.s32 $0x2400, v41;
	v12 =	vmovc v28;
	v28 =	vadd.f32 v9, v1;
	v44 =	vld.idx.msk [tilespmem:v51+s9+$0x0], $0xffff;
	v18 =	vadd.f32 v8, v2  }
0xce: {  	s23 =	smov.u32 s21;
	s20 =	sadd.s32 $0x18, s20;
	v5 =	vmovc v22;
	v3 =	vmov v34;
	v34 =	vld.idx.msk [tilespmem:v48+s9+$0x0], $0xffff;
	v45 =	vadd.f32 v45, v0;
	v22 =	vadd.f32 v6, v11  }
0xcf: {  	_ =	sdelay $0x3  }
0xd0: {  	v2 =	vld.idx.msk [tilespmem:v35+s9+$0x0], $0xffff  }
0xd1: {  	v62 =	vld.idx.msk [tilespmem:v42+s9+$0x0], $0xffff  }
0xd2: {  	v6 =	vld.idx.msk [tilespmem:v52+s9+$0x0], $0xffff  }
0xd3: {  	v63 =	vld.idx.msk [tilespmem:v56+s9+$0x0], $0xffff  }
0xd4: {  	v9 =	vld.idx.msk [tilespmem:v53+s9+$0x0], $0xffff  }
0xd5: {  	v8 =	vor.u32 $0x1800, v37;
	v35 =	vld.idx.msk [tilespmem:v38+s9+$0x0], $0xffff  }
0xd6: {  	v0 =	vadd.f32 v4, v59;
	v60 =	vadd.f32 v5, v57;
	v13 =	vld.idx.msk [tilespmem:v27+s9+$0x0], $0xffff  }
0xd7: {  	v14 =	vld.idx.msk [tilespmem:v49+s9+$0x0], $0xffff  }
0xd8: {  	v0 =	vadd.f32 v3, v0;
	v3 =	vadd.f32 v34, v60;
	v34 =	vld.idx.msk [tilespmem:v36+s9+$0x0], $0xffff  }
0xd9: {  	v12 =	vadd.f32 v12, v33;
	v16 =	vld.idx.msk [tilespmem:v46+s9+$0x0], $0xffff  }
0xda: {  	v10 =	vadd.f32 v10, v23;
	v8 =	vld.idx.msk [tilespmem:v8+s9+$0x0], $0xffff  }
0xdb: {  	v37 =	vld.idx.msk [tilespmem:v40+s9+$0x0], $0xffff;
	v12 =	vadd.f32 v43, v12  }
0xdc: {  	v38 =	vld [tilespmem:$0x1FF60];
	v10 =	vadd.f32 v17, v10  }
0xdd: {  	v46 =	vld [tilespmem:$0x1FFA0];
	v2 =	vadd.f32 v2, v3;
	v3 =	vadd.f32 v34, v12  }
0xde: {  	v36 =	vadd.f32 v21, v10;
	v10 =	vld [tilespmem:$0x1FF50]  }
0xdf: {  	v61 =	vadd.f32 v44, v45;
	v3 =	vadd.f32 v8, v3;
	v8 =	vld [tilespmem:$0x1FFC0]  }
0xe0: {  	v15 =	vadd.f32 v30, v28;
	v17 =	vld.idx.msk [tilespmem:v41+s9+$0x0], $0xffff;
	v0 =	vadd.f32 v7, v0  }
0xe1: {  	v11 =	vadd.f32 v20, v18;
	v41 =	vld [tilespmem:$0x1FF70];
	v4 =	vadd.f32 v31, v61  }
0xe2: {  	v43 =	vld [tilespmem:$0x1FF80];
	v5 =	vadd.f32 v35, v15;
	v0 =	vadd.f32 v50, v0  }
0xe3: {  	v45 =	vld [tilespmem:$0x1FF90];
	v7 =	vadd.f32 v25, v36;
	v10 =	vadd.f32 v10, v22  }
0xe4: {  	v15 =	vld.idx.msk [tilespmem:v47+s9+$0x0], $0xffff;
	v0 =	vadd.f32 v62, v0;
	v2 =	vadd.f32 v32, v2  }
0xe5: {  	v47 =	vld [tilespmem:$0x1FFB0];
	v7 =	vadd.f32 v13, v7;
	v10 =	vadd.f32 v29, v10  }
0xe6: {  	v48 =	vld [tilespmem:$0x1FFD0];
	v5 =	vadd.f32 v9, v5;
	v0 =	vadd.f32 v63, v0  }
0xe7: {  	v1 =	vld.idx.msk [tilespmem:v58+s9+$0x0], $0xffff;
	v2 =	vadd.f32 v6, v2;
	v9 =	vadd.f32 v24, v10;
	[tilespmem:v8+s17+$0x0] =	vst.idx.msk $0xffff, v7  }
0xe8: {  	v4 =	vadd.f32 v26, v4;
	v0 =	vadd.f32 v14, v0;
	[tilespmem:v38+s17+$0x0] =	vst.idx.msk $0xffff, v5  }
0xe9: {  	v3 =	vadd.f32 v16, v3;
	v40 =	vadd.f32 v17, v9;
	[tilespmem:v41+s17+$0x0] =	vst.idx.msk $0xffff, v2  }
0xea: {  	v42 =	vadd.f32 v39, v11;
	v4 =	vadd.f32 v15, v4;
	[tilespmem:v43+s17+$0x0] =	vst.idx.msk $0xffff, v0  }
0xeb: {  	v44 =	vadd.f32 v37, v40;
	[tilespmem:v45+s17+$0x0] =	vst.idx.msk $0xffff, v3  }
0xec: {  	v1 =	vadd.f32 v1, v42;
	[tilespmem:v46+s17+$0x0] =	vst.idx.msk $0xffff, v4  }
0xed: {  	[tilespmem:v47+s17+$0x0] =	vst.idx.msk $0xffff, v44  }
0xee: {  	s20 =	simm.s32 $0x0;
	[tilespmem:v48+s17+$0x0] =	vst.idx.msk $0xffff, v1  }
0xef: {  	[hbm4b:s6+s20] =	stream.linear.scatter [tilespmem:s17], [sflag:$0x3], $0x80, $0x38;
	[tilespmem:$0x8080] =	vst v63  }
0xf0: {  	_ =	swait.ge [sflag:s10], $0x80  }
0xf1: {  	[sflag:s10] =	ssyncset.done $0x0  }
0xf2: {  	s21 =	simm.s32 $0x1;
	[sflag:s10] =	ssyncadd.s32 $0xFFFFFF80  }
0xf3: {  	s28 =	simm.s32 $0x2;
	s29 =	simm.s32 $0x3;
	_ =	swait.ge [sflag:s18], $0x2000  }
0xf4: {  	s22 =	simm.s32 $0x4;
	v49 =	vmov s21;
	v51 =	vmov s28;
	v58 =	vmov s29;
	v54 =	vld [tilespmem:$0x1FFF0]  }
0xf5: {  	v57 =	vshll.u32 v51, $0x3;
	v59 =	vshll.u32 v58, $0x3;
	v8 =	vmov s22  }
0xf6: {  	v50 =	vshll.u32 v49, $0x3;
	v11 =	vshll.u32 v8, $0x3;
	v39 =	vand.u32 $0x7C, v8  }
0xf7: {  	v2 =	vand.u32 $0xC00, v57;
	v0 =	vand.u32 $0x79, v49;
	v1 =	vand.u32 $0xC00, v50  }
0xf8: {  	v3 =	vand.u32 $0xC00, v59;
	v0 =	vor.u32 v0, v1;
	v1 =	vand.u32 $0x7A, v51  }
0xf9: {  	v1 =	vor.u32 v1, v2;
	v2 =	vand.u32 $0x7B, v58;
	[sflag:s18] =	ssyncset.done $0x0;
	v0 =	vadd.s32 v54, v0  }
0xfa: {  	v8 =	vand.u32 $0xC00, v11;
	v2 =	vor.u32 v2, v3;
	[sflag:s18] =	ssyncadd.s32 $0xFFFFE000;
	v1 =	vadd.s32 v54, v1  }
0xfb: {  	v6 =	vor.u32 v39, v8;
	[tilespmem:s20], [sflag:$0x1] =	stream.linear.gather [hbm4b:s5+s20], $0x1000, $0x38;
	v2 =	vadd.s32 v54, v2;
	[tilespmem:$0x8080] =	vst v63  }
0xfc: {  	v41 =	vadd.s32 v54, v6  }
0xfd: {  	[tilespmem:s12], [sflag:$0x1] =	stream.linear.gather [hbm4b:s15+s20], $0x1000, $0x38;
	[tilespmem:$0x8080] =	vst v63  }
0xfe: {  	v0 =	vld.idx.msk [tilespmem:v0+s3+$0x0], $0xffff  }
0xff: {  	v1 =	vld.idx.msk [tilespmem:v1+s3+$0x0], $0xffff  }
0x100: {  	s23 =	simm.s32 $0x5;
	v2 =	vld.idx.msk [tilespmem:v2+s3+$0x0], $0xffff  }
0x101: {  	s25 =	simm.s32 $0x7;
	v43 =	vmov s23;
	v4 =	vld.idx.msk [tilespmem:v41+s3+$0x0], $0xffff  }
0x102: {  	v16 =	vimm.s32 $0x0;
	v11 =	vshll.u32 v43, $0x3;
	v51 =	vmov s25  }
0x103: {  	v45 =	vand.u32 $0xC00, v11;
	v44 =	vand.u32 $0x7D, v43;
	v30 =	vshll.u32 v51, $0x3  }
0x104: {  	vm0 =	vgt.f32 v0, $1.000000010e-01;
	vm1 =	vgt.f32 v0, $-1.000000010e-01;
	vm14 =	vgt.f32 v1, $1.000000010e-01  }
0x105: {  	vm15 =	vgt.f32 v1, $-1.000000010e-01;
	vm4 =	vgt.f32 v2, $1.000000010e-01;
	vm5 =	vgt.f32 v2, $-1.000000010e-01  }
0x106: {  	v1 =	vor.u32 v44, v45;
	vm6 =	vgt.f32 v4, $-1.000000010e-01;
	vm7 =	vgt.f32 v4, $1.000000010e-01  }
0x107: {  	v4 =	vand.u32 $0x7F, v51;
	v60 =	vsel vm0, $0x1, v16;
	v61 =	vsel vm1, $0x1, v16  }
0x108: {  	s30 =	simm.s32 $0x3;
	v32 =	vsel vm14, $0x1, v16;
	v34 =	vsel vm15, $0x1, v16;
	v36 =	vsel vm4, $0x1, v16  }
0x109: {  	s22 =	simm.s32 $0x9;
	v13 =	vsel vm5, $0x1, v16;
	v1 =	vadd.s32 v54, v1;
	v0 =	vadd.s32 s30, v60  }
0x10a: {  	s31 =	simm.s32 $0x6;
	v19 =	vsel vm6, $0x1, v16;
	v2 =	vadd.s32 s22, v36;
	v0 =	vadd.s32 v61, v0  }
0x10b: {  	v26 =	vsel vm7, $0x1, v16;
	v5 =	vor.u32 s31, v32;
	v2 =	vadd.s32 v13, v2  }
0x10c: {  	v53 =	vadd.s32 v26, v19;
	v26 =	vand.u32 $0xC00, v30;
	v5 =	vadd.s32 v34, v5  }
0x10d: {  	v4 =	vor.u32 v4, v26;
	v62 =	vor.u32 $0x1800, v0  }
0x10e: {  	v3 =	vand.u32 $0x7FF, v0;
	v4 =	vadd.s32 v54, v4;
	v1 =	vld.idx.msk [tilespmem:v1+s3+$0x0], $0xffff  }
0x10f: {  	v63 =	vadd.s32 $0x2A00, v3;
	v23 =	vld.idx.msk [tilespmem:v0+s9+$0x0], $0xffff  }
0x110: {  	v33 =	vadd.s32 $0x1E00, v3;
	v11 =	vld.idx.msk [tilespmem:v2+s9+$0x0], $0xffff  }
0x111: {  	v10 =	vand.u32 $0xFFF, v5;
	v35 =	vadd.s32 $0x2400, v3;
	v5 =	vld.idx.msk [tilespmem:v5+s9+$0x0], $0xffff  }
0x112: {  	v12 =	vadd.s32 $0x1E00, v10;
	v25 =	vld.idx.msk [tilespmem:v62+s9+$0x0], $0xffff  }
0x113: {  	v37 =	vadd.s32 $0x2400, v10;
	v4 =	vld.idx.msk [tilespmem:v4+s3+$0x0], $0xffff  }
0x114: {  	v15 =	vmov s20;
	v38 =	vadd.s32 $0x1200, v10;
	v24 =	vld.idx.msk [tilespmem:v63+s9+$0x0], $0xffff  }
0x115: {  	v47 =	vshll.u32 v15, $0x3;
	v40 =	vadd.s32 $0x1200, v3;
	v20 =	vld.idx.msk [tilespmem:v33+s9+$0x0], $0xffff  }
0x116: {  	s24 =	simm.s32 $0x6;
	v7 =	vand.u32 $0xC00, v47;
	v17 =	vand.u32 $0x7FF, v2;
	v14 =	vadd.s32 $0x2A00, v10;
	v22 =	vld.idx.msk [tilespmem:v35+s9+$0x0], $0xffff  }
0x117: {  	v8 =	vor.u32 $0x1800, v2;
	v50 =	vadd.s32 $0x2400, v17;
	v28 =	vld.idx.msk [tilespmem:v12+s9+$0x0], $0xffff;
	v12 =	vmov s24  }
0x118: {  	v18 =	vld.idx.msk [tilespmem:v37+s9+$0x0], $0xffff;
	v46 =	vshll.u32 v12, $0x3;
	v48 =	vand.u32 $0x7E, v12;
	v12 =	vand.u32 $0x78, v15  }
0x119: {  	v21 =	vadd.s32 $0x600, v10;
	v13 =	vld.idx.msk [tilespmem:v38+s9+$0x0], $0xffff;
	v7 =	vor.u32 v12, v7  }
0x11a: {  	v60 =	vld.idx.msk [tilespmem:v40+s9+$0x0], $0xffff;
	v49 =	vadd.s32 v54, v7  }
0x11b: {  	v27 =	vadd.s32 $0x2A00, v17;
	v29 =	vld.idx.msk [tilespmem:v14+s9+$0x0], $0xffff  }
0x11c: {  	v12 =	vld.idx.msk [tilespmem:v8+s9+$0x0], $0xffff;
	v8 =	vadd.s32 $0xC00, v17  }
0x11d: {  	v9 =	vadd.s32 $0x600, v3;
	v3 =	vadd.s32 $0xC00, v3;
	v55 =	vld.idx.msk [tilespmem:v50+s9+$0x0], $0xffff  }
0x11e: {  	v31 =	vld.idx.msk [tilespmem:v21+s9+$0x0], $0xffff;
	v2 =	vand.u32 $0xC00, v46  }
0x11f: {  	v30 =	vadd.s32 $0xC00, v10;
	v0 =	vor.u32 v48, v2;
	v2 =	vld.idx.msk [tilespmem:v49+s3+$0x0], $0xffff  }
0x120: {  	s26 =	simm.s32 $0xC;
	v10 =	vadd.s32 $0x1800, v10;
	v32 =	vld.idx.msk [tilespmem:v27+s9+$0x0], $0xffff  }
0x121: {  	s28 =	simm.s32 $0x0;
	v27 =	vmov s26;
	v48 =	vld.idx.msk [tilespmem:v8+s9+$0x0], $0xffff;
	v8 =	vor.u32 s26, v53  }
0x122: {  	v26 =	vmov s28;
	v42 =	vadd.s32 $0x1200, v17;
	v3 =	vld.idx.msk [tilespmem:v3+s9+$0x0], $0xffff;
	v27 =	vand.u32 $0x7FF, v27  }
0x123: {  	v56 =	vadd.s32 $0x600, v17;
	v6 =	vor.u32 v53, v27;
	v7 =	vld.idx.msk [tilespmem:v9+s9+$0x0], $0xffff;
	v9 =	vadd.s32 $0x1E00, v17  }
0x124: {  	v30 =	vld.idx.msk [tilespmem:v30+s9+$0x0], $0xffff;
	v0 =	vadd.s32 v54, v0;
	vm8 =	vgt.f32 v2, $-1.000000010e-01;
	vm9 =	vgt.f32 v2, $1.000000010e-01  }
0x125: {  	v10 =	vld.idx.msk [tilespmem:v10+s9+$0x0], $0xffff;
	v35 =	vadd.s32 $0x600, v6;
	v17 =	vsel vm8, $0x1, v16;
	v21 =	vsel vm9, $0x1, v16  }
0x126: {  	v14 =	vld.idx.msk [tilespmem:v8+s9+$0x0], $0xffff;
	v8 =	vand.u32 $0x7FB, v26;
	v21 =	vadd.s32 v21, v17  }
0x127: {  	v36 =	vimm.f32 $0.0e+00;
	v15 =	vld.idx.msk [tilespmem:v42+s9+$0x0], $0xffff;
	v26 =	vor.u32 s28, v21;
	v8 =	vor.u32 v21, v8  }
0x128: {  	vm10 =	vgt.f32 v1, $1.000000010e-01;
	vm11 =	vgt.f32 v1, $-1.000000010e-01;
	v9 =	vld.idx.msk [tilespmem:v9+s9+$0x0], $0xffff;
	v21 =	vadd.s32 $0xC00, v8  }
0x129: {  	s29 =	simm.s32 $0xF;
	v57 =	vsel vm10, $0x1, v16;
	v58 =	vsel vm11, $0x1, v16;
	v0 =	vld.idx.msk [tilespmem:v0+s3+$0x0], $0xffff;
	v27 =	vor.u32 $0x1800, v8  }
0x12a: {  	v1 =	vadd.s32 s29, v57;
	v40 =	vadd.s32 $0x1E00, v6;
	v45 =	vld.idx.msk [tilespmem:v35+s9+$0x0], $0xffff;
	v59 =	vadd.s32 $0x600, v8  }
0x12b: {  	v61 =	vadd.s32 $0x2A00, v6;
	v1 =	vadd.s32 v58, v1;
	v2 =	vld.idx.msk [tilespmem:v56+s9+$0x0], $0xffff;
	v62 =	vadd.s32 $0x2A00, v8  }
0x12c: {  	v41 =	vadd.s32 $0x1200, v6;
	v44 =	vand.u32 $0xFFF, v1;
	v58 =	vadd.s32 $0x1200, v8;
	v26 =	vld.idx.msk [tilespmem:v26+s9+$0x0], $0xffff  }
0x12d: {  	vm14 =	vgt.f32 v4, $1.000000010e-01;
	vm15 =	vgt.f32 v4, $-1.000000010e-01;
	v47 =	vadd.s32 $0x2400, v44;
	v63 =	vld.idx.msk [tilespmem:v21+s9+$0x0], $0xffff  }
0x12e: {  	v52 =	vadd.s32 $0x600, v44;
	vm12 =	vgt.f32 v0, $1.000000010e-01;
	vm13 =	vgt.f32 v0, $-1.000000010e-01;
	v27 =	vld.idx.msk [tilespmem:v27+s9+$0x0], $0xffff  }
0x12f: {  	s30 =	simm.s32 $0x12;
	v56 =	vadd.s32 $0x1E00, v8;
	v8 =	vadd.s32 $0x2400, v8;
	v21 =	vsel vm12, $0x1, v16;
	v34 =	vld.idx.msk [tilespmem:v59+s9+$0x0], $0xffff  }
0x130: {  	v42 =	vadd.s32 $0x1200, v44;
	v53 =	vsel vm13, $0x1, v16;
	v0 =	vld.idx.msk [tilespmem:v62+s9+$0x0], $0xffff;
	v57 =	vor.u32 s30, v21  }
0x131: {  	v35 =	vadd.s32 $0xC00, v44;
	v17 =	vadd.s32 $0xC00, v6;
	v43 =	vld.idx.msk [tilespmem:v58+s9+$0x0], $0xffff;
	v37 =	vadd.s32 v53, v57  }
0x132: {  	v46 =	vld.idx.msk [tilespmem:v61+s9+$0x0], $0xffff;
	v53 =	vor.u32 $0x1800, v6;
	v6 =	vadd.s32 $0x2400, v6;
	v51 =	vand.u32 $0x7FF, v37  }
0x133: {  	v50 =	vld.idx.msk [tilespmem:v41+s9+$0x0], $0xffff;
	v59 =	vadd.f32 v26, v36;
	v61 =	vadd.s32 $0x1E00, v51;
	v62 =	vadd.s32 $0x2A00, v51  }
0x134: {  	v8 =	vld.idx.msk [tilespmem:v8+s9+$0x0], $0xffff;
	v38 =	vadd.s32 $0x600, v51;
	v26 =	vadd.f32 v63, v36;
	v27 =	vadd.f32 v27, v36  }
0x135: {  	v21 =	vld.idx.msk [tilespmem:v1+s9+$0x0], $0xffff;
	v41 =	vadd.s32 $0x2400, v51;
	v39 =	vadd.f32 v34, v36;
	v0 =	vadd.f32 v0, v36  }
0x136: {  	s31 =	simm.s32 $0x15;
	v63 =	vld.idx.msk [tilespmem:v56+s9+$0x0], $0xffff;
	v56 =	vsel vm14, $0x1, v16;
	v1 =	vadd.f32 v23, v59;
	v59 =	vadd.f32 v43, v36  }
0x137: {  	v34 =	vld.idx.msk [tilespmem:v17+s9+$0x0], $0xffff;
	v4 =	vadd.s32 s31, v56;
	v3 =	vadd.f32 v3, v26;
	v25 =	vadd.f32 v25, v27  }
0x138: {  	v56 =	vadd.s32 $0x1200, v51;
	v7 =	vadd.f32 v7, v39;
	v0 =	vadd.f32 v24, v0;
	v43 =	vld.idx.msk [tilespmem:v53+s9+$0x0], $0xffff  }
0x139: {  	v24 =	vld.idx.msk [tilespmem:v47+s9+$0x0], $0xffff;
	v23 =	vadd.f32 v5, v1;
	v1 =	vadd.s32 $0x1E00, v44;
	v57 =	vadd.f32 v30, v3  }
0x13a: {  	v26 =	vld.idx.msk [tilespmem:v61+s9+$0x0], $0xffff;
	v33 =	vadd.f32 v10, v25;
	v10 =	vsel vm15, $0x1, v16;
	v61 =	vadd.f32 v8, v36  }
0x13b: {  	v39 =	vld.idx.msk [tilespmem:v62+s9+$0x0], $0xffff;
	v8 =	vadd.s32 $0x2A00, v44;
	v7 =	vadd.f32 v31, v7;
	v0 =	vadd.f32 v29, v0  }
0x13c: {  	v25 =	vld.idx.msk [tilespmem:v37+s9+$0x0], $0xffff;
	v27 =	vadd.s32 v10, v4;
	v58 =	vadd.f32 v63, v36;
	v10 =	vadd.s32 $0xC00, v51  }
0x13d: {  	v30 =	vld.idx.msk [tilespmem:v52+s9+$0x0], $0xffff;
	v36 =	vadd.s32 $0x1800, v44;
	v62 =	vadd.f32 v22, v61;
	v2 =	vadd.f32 v2, v7  }
0x13e: {  	v29 =	vld.idx.msk [tilespmem:v6+s9+$0x0], $0xffff;
	v63 =	vand.u32 $0xFFF, v27;
	v0 =	vadd.f32 v32, v0;
	v4 =	vadd.f32 v20, v58  }
0x13f: {  	v44 =	vld.idx.msk [tilespmem:v40+s9+$0x0], $0xffff;
	v52 =	vadd.s32 $0xC00, v63;
	v47 =	vadd.s32 $0x1E00, v63;
	v58 =	vadd.s32 $0x2A00, v63  }
0x140: {  	v53 =	vadd.s32 $0x600, v63;
	v49 =	vadd.s32 $0x1200, v63;
	v31 =	vld.idx.msk [tilespmem:v1+s9+$0x0], $0xffff;
	v4 =	vadd.f32 v28, v4  }
0x141: {  	v40 =	vadd.s32 $0x2400, v63;
	v22 =	vadd.f32 v18, v62;
	v18 =	vadd.f32 v46, v0;
	v20 =	vld.idx.msk [tilespmem:v8+s9+$0x0], $0xffff  }
0x142: {  	s23 =	simm.s32 $0x8;
	s20 =	simm.s32 $0x2D;
	v46 =	vadd.s32 $0x1800, v63;
	v28 =	vadd.f32 v45, v2;
	v32 =	vld.idx.msk [tilespmem:v10+s9+$0x0], $0xffff;
	v45 =	vadd.f32 v9, v4  }
.LBB2_4:
0x143: {  	s24 =	sadd.s32 $0x1, s23  }
0x144: {  	s25 =	sadd.s32 $0x2, s23;
	v1 =	vadd.f32 v48, v57;
	v4 =	vmov s24  }
0x145: {  	v2 =	vor.u32 $0x1800, v37;
	s22 =	smov.u32 s23;
	v5 =	vmov s25;
	v8 =	vand.u32 $0x79, v4  }
0x146: {  	v7 =	vld.idx.msk [tilespmem:v35+s9+$0x0], $0xffff;
	s25 =	sadd.s32 $0x3, s22;
	v4 =	vshll.u32 v4, $0x3;
	v9 =	vand.u32 $0x7A, v5;
	v5 =	vshll.u32 v5, $0x3  }
0x147: {  	v3 =	vld.idx.msk [tilespmem:v58+s9+$0x0], $0xffff;
	v63 =	vmov s25;
	v4 =	vand.u32 $0xC00, v4;
	v0 =	vadd.f32 v60, v59  }
0x148: {  	v6 =	vadd.f32 v44, v45;
	v4 =	vor.u32 v8, v4;
	v8 =	vadd.f32 v20, v18  }
0x149: {  	v10 =	vld.idx.msk [tilespmem:v47+s9+$0x0], $0xffff;
	v5 =	vand.u32 $0xC00, v5;
	v1 =	vadd.f32 v34, v1;
	v0 =	vadd.f32 v13, v0  }
0x14a: {  	v16 =	vld.idx.msk [tilespmem:v52+s9+$0x0], $0xffff;
	v4 =	vadd.s32 v54, v4;
	v6 =	vadd.f32 v31, v6;
	v8 =	vadd.f32 v39, v8  }
0x14b: {  	v62 =	vld.idx.msk [tilespmem:v49+s9+$0x0], $0xffff;
	v5 =	vor.u32 v9, v5;
	v1 =	vadd.f32 v7, v1;
	v0 =	vadd.f32 v15, v0  }
0x14c: {  	v13 =	vld.idx.msk [tilespmem:v42+s9+$0x0], $0xffff;
	v6 =	vadd.f32 v26, v6;
	v3 =	vadd.f32 v3, v8;
	v8 =	vshll.u32 v63, $0x3  }
0x14d: {  	v9 =	vld.idx.msk [tilespmem:v36+s9+$0x0], $0xffff;
	v1 =	vadd.f32 v32, v1;
	v35 =	vand.u32 $0xC00, v8;
	v8 =	vadd.f32 v55, v22  }
0x14e: {  	v15 =	vld.idx.msk [tilespmem:v56+s9+$0x0], $0xffff;
	v0 =	vadd.f32 v50, v0;
	v6 =	vadd.f32 v10, v6  }
0x14f: {  	v5 =	vadd.s32 v54, v5;
	v4 =	vld.idx.msk [tilespmem:v4+s3+$0x0], $0xffff;
	v10 =	vadd.f32 v11, v23;
	v11 =	vadd.f32 v12, v33  }
0x150: {  	[tilespmem:$0x1FE60] =	vst v3;
	v3 =	vand.u32 $0x7B, v63;
	v12 =	vld.idx.msk [tilespmem:v38+s9+$0x0], $0xffff;
	v1 =	vadd.f32 v16, v1;
	v38 =	vadd.f32 v29, v8  }
0x151: {  	v2 =	vld.idx.msk [tilespmem:v2+s9+$0x0], $0xffff;
	v16 =	vimm.s32 $0x0;
	v0 =	vadd.f32 v13, v0;
	v11 =	vadd.f32 v43, v11  }
0x152: {  	[tilespmem:$0x1FE50] =	vst v1;
	v1 =	vor.u32 v3, v35;
	v36 =	vadd.f32 v14, v10;
	v10 =	vadd.f32 v30, v28  }
0x153: {  	s26 =	sadd.s32 $0x4, s22;
	v8 =	vld.idx.msk [tilespmem:v40+s9+$0x0], $0xffff;
	v37 =	vadd.s32 v54, v1;
	v1 =	vadd.f32 v24, v38;
	v0 =	vadd.f32 v15, v0  }
0x154: {  	s25 =	sadd.s32 $0x5, s22;
	v40 =	vld.idx.msk [tilespmem:v5+s3+$0x0], $0xffff;
	v39 =	vadd.f32 v9, v11;
	v9 =	vmov s26;
	v3 =	vadd.f32 v21, v36  }
0x155: {  	v15 =	vmov s25;
	vm0 =	vgt.f32 v4, $-1.000000010e-01;
	vm1 =	vgt.f32 v4, $1.000000010e-01  }
0x156: {  	v19 =	vld.idx.msk [tilespmem:v53+s9+$0x0], $0xffff;
	s26 =	sadd.s32 $0x6, s22;
	v10 =	vadd.f32 v12, v10;
	v51 =	vand.u32 $0x7C, v9;
	v57 =	vshll.u32 v15, $0x3  }
0x157: {  	v13 =	vld.idx.msk [tilespmem:v41+s9+$0x0], $0xffff;
	v58 =	vmov s26;
	v60 =	vand.u32 $0x7D, v15;
	v0 =	vadd.f32 v62, v0  }
0x158: {  	s28 =	sadd.s32 $0xFFFFFFEE, s20;
	v41 =	vsel vm0, $0x1, v16;
	v14 =	vsel vm1, $0x1, v16;
	v3 =	vadd.f32 v25, v3  }
0x159: {  	v2 =	vadd.f32 v2, v39;
	vm14 =	vgt.f32 v40, $-1.000000010e-01;
	v12 =	vadd.s32 s28, v14  }
0x15a: {  	vm15 =	vgt.f32 v40, $1.000000010e-01;
	v15 =	vshll.u32 v58, $0x3;
	v5 =	vadd.s32 v41, v12  }
0x15b: {  	v26 =	vadd.f32 v19, v10;
	v42 =	vand.u32 $0x7FF, v5;
	v10 =	vor.u32 $0x1800, v5  }
0x15c: {  	s29 =	sadd.s32 $0xFFFFFFF1, s20;
	v11 =	vld.idx.msk [tilespmem:v27+s9+$0x0], $0xffff;
	v1 =	vadd.f32 v13, v1;
	v4 =	vsel vm15, $0x1, v16;
	v45 =	vadd.s32 $0x2A00, v42  }
0x15d: {  	v34 =	vld.idx.msk [tilespmem:v46+s9+$0x0], $0xffff;
	v62 =	vand.u32 $0xC00, v15;
	v4 =	vor.u32 s29, v4;
	v44 =	vadd.s32 $0x1E00, v42  }
0x15e: {  	[tilespmem:$0x1FE70] =	vst v0;
	v0 =	vld.idx.msk [tilespmem:v37+s3+$0x0], $0xffff;
	v1 =	vadd.f32 v8, v1;
	v8 =	vsel vm14, $0x1, v16;
	v53 =	vadd.s32 $0x1200, v42  }
0x15f: {  	v15 =	vmov s22;
	v46 =	vadd.s32 $0x2400, v42;
	v21 =	vadd.s32 v8, v4;
	v39 =	vld.idx.msk [tilespmem:v5+s9+$0x0], $0xffff  }
0x160: {  	v43 =	vadd.s32 $0x600, v42;
	v8 =	vshll.u32 v9, $0x3;
	v47 =	vand.u32 $0xFFF, v21;
	v33 =	vld.idx.msk [tilespmem:v10+s9+$0x0], $0xffff  }
0x161: {  	v30 =	vadd.f32 v11, v3;
	v52 =	vand.u32 $0xC00, v8;
	v11 =	vadd.s32 $0x2400, v47;
	v29 =	vld.idx.msk [tilespmem:v45+s9+$0x0], $0xffff  }
0x162: {  	v25 =	vadd.f32 v34, v2;
	v14 =	vadd.s32 $0x2A00, v47;
	v3 =	vor.u32 v51, v52;
	v2 =	vld.idx.msk [tilespmem:v44+s9+$0x0], $0xffff  }
0x163: {  	vm4 =	vgt.f32 v0, $-1.000000010e-01;
	vm5 =	vgt.f32 v0, $1.000000010e-01;
	v0 =	vadd.s32 $0x1200, v47;
	v5 =	vld.idx.msk [tilespmem:v53+s9+$0x0], $0xffff  }
0x164: {  	v63 =	vand.u32 $0x78, v15;
	v3 =	vadd.s32 v54, v3;
	v32 =	vld.idx.msk [tilespmem:v46+s9+$0x0], $0xffff  }
0x165: {  	s30 =	sadd.s32 $0xFFFFFFF4, s20;
	v15 =	vshll.u32 v15, $0x3;
	v17 =	vadd.s32 $0xC00, v42;
	v48 =	vsel vm5, $0x1, v16;
	v43 =	vld.idx.msk [tilespmem:v43+s9+$0x0], $0xffff  }
0x166: {  	v10 =	vadd.s32 $0x1E00, v47;
	v49 =	vsel vm4, $0x1, v16;
	v4 =	vadd.s32 s30, v48;
	v31 =	vld.idx.msk [tilespmem:v11+s9+$0x0], $0xffff  }
0x167: {  	v34 =	vand.u32 $0xC00, v15;
	v36 =	vadd.s32 $0x600, v47;
	v50 =	vadd.s32 v49, v4;
	v44 =	vld.idx.msk [tilespmem:v14+s9+$0x0], $0xffff  }
0x168: {  	v27 =	vadd.s32 $0x1800, v47;
	v55 =	vand.u32 $0x7FF, v50;
	v23 =	vld.idx.msk [tilespmem:v0+s9+$0x0], $0xffff;
	[tilespmem:$0x1FEB0] =	vst v5;
	v5 =	vor.u32 v63, v34  }
0x169: {  	v61 =	vand.u32 $0x7E, v58;
	v4 =	vadd.s32 $0x600, v55;
	v3 =	vld.idx.msk [tilespmem:v3+s3+$0x0], $0xffff;
	v5 =	vadd.s32 v54, v5  }
0x16a: {  	v56 =	vadd.s32 $0x1E00, v55;
	v8 =	vadd.s32 $0x2A00, v55;
	v0 =	vand.u32 $0xC00, v57;
	v57 =	vld.idx.msk [tilespmem:v17+s9+$0x0], $0xffff  }
0x16b: {  	v19 =	vadd.s32 $0xC00, v55;
	v28 =	vld.idx.msk [tilespmem:v10+s9+$0x0], $0xffff;
	v10 =	vadd.s32 $0x1200, v55;
	v0 =	vor.u32 v60, v0  }
0x16c: {  	v7 =	vadd.s32 $0x2400, v55;
	v55 =	vld.idx.msk [tilespmem:v36+s9+$0x0], $0xffff;
	[tilespmem:$0x1FEA0] =	vst v2;
	v0 =	vadd.s32 v54, v0;
	v2 =	vor.u32 v61, v62  }
0x16d: {  	s31 =	sadd.s32 $0xFFFFFFEB, s20;
	s28 =	sadd.s32 $0x7, s22;
	v61 =	vld.idx.msk [tilespmem:v27+s9+$0x0], $0xffff;
	v2 =	vadd.s32 v54, v2  }
0x16e: {  	v59 =	vmov s28;
	v9 =	vmov s31;
	v12 =	vor.u32 $0x1800, v50;
	v5 =	vld.idx.msk [tilespmem:v5+s3+$0x0], $0xffff  }
0x16f: {  	v40 =	vand.u32 $0x7F, v59;
	v9 =	vand.u32 $0x7FB, v9;
	v35 =	vadd.s32 $0xC00, v47;
	v24 =	vld.idx.msk [tilespmem:v50+s9+$0x0], $0xffff  }
0x170: {  	vm6 =	vgt.f32 v3, $-1.000000010e-01;
	vm7 =	vgt.f32 v3, $1.000000010e-01;
	v20 =	vld.idx.msk [tilespmem:v10+s9+$0x0], $0xffff;
	v10 =	vshll.u32 v59, $0x3  }
0x171: {  	s29 =	sadd.s32 $0xFFFFFFF7, s20;
	v41 =	vsel vm6, $0x1, v16;
	v42 =	vsel vm7, $0x1, v16;
	v10 =	vand.u32 $0xC00, v10;
	v0 =	vld.idx.msk [tilespmem:v0+s3+$0x0], $0xffff  }
0x172: {  	[tilespmem:$0x1FE90] =	vst v1;
	v3 =	vadd.s32 v42, v41;
	v1 =	vor.u32 v40, v10;
	v2 =	vld.idx.msk [tilespmem:v2+s3+$0x0], $0xffff;
	v10 =	vmov s29  }
0x173: {  	v22 =	vld.idx.msk [tilespmem:v12+s9+$0x0], $0xffff;
	v1 =	vadd.s32 v54, v1;
	vm12 =	vgt.f32 v5, $-1.000000010e-01;
	vm13 =	vgt.f32 v5, $1.000000010e-01  }
0x174: {  	v18 =	vld.idx.msk [tilespmem:v7+s9+$0x0], $0xffff;
	v45 =	vand.u32 $0x7FF, v10;
	v47 =	vsel vm12, $0x1, v16;
	v49 =	vsel vm13, $0x1, v16  }
0x175: {  	v48 =	vld.idx.msk [tilespmem:v19+s9+$0x0], $0xffff;
	v10 =	vor.u32 s29, v3;
	v3 =	vor.u32 v3, v45;
	v36 =	vadd.s32 v49, v47  }
0x176: {  	v4 =	vld.idx.msk [tilespmem:v4+s9+$0x0], $0xffff;
	vm8 =	vgt.f32 v0, $1.000000010e-01;
	vm9 =	vgt.f32 v0, $-1.000000010e-01;
	v37 =	vor.u32 s31, v36  }
0x177: {  	s30 =	sadd.s32 $0xFFFFFFFA, s20;
	v59 =	vld.idx.msk [tilespmem:v21+s9+$0x0], $0xffff;
	v46 =	vsel vm8, $0x1, v16;
	vm10 =	vgt.f32 v2, $1.000000010e-01;
	v9 =	vor.u32 v36, v9  }
0x178: {  	v54 =	vld.idx.msk [tilespmem:v8+s9+$0x0], $0xffff;
	v8 =	vsel vm9, $0x1, v16;
	v0 =	vadd.s32 s30, v46;
	v27 =	vadd.s32 $0x600, v9  }
0x179: {  	v45 =	vld.idx.msk [tilespmem:v56+s9+$0x0], $0xffff;
	vm11 =	vgt.f32 v2, $-1.000000010e-01;
	v0 =	vadd.s32 v8, v0;
	v8 =	vsel vm10, $0x1, v16;
	s31 =	sadd.s32 $0xFFFFFFFD, s20  }
0x17a: {  	v7 =	vadd.s32 $0x2A00, v3;
	v5 =	vld.idx.msk [tilespmem:v35+s9+$0x0], $0xffff;
	v2 =	vsel vm11, $0x1, v16;
	v8 =	vor.u32 s31, v8  }
0x17b: {  	[tilespmem:$0x1FE80] =	vst v6;
	v6 =	vadd.s32 $0x600, v3;
	v63 =	vld.idx.msk [tilespmem:v37+s9+$0x0], $0xffff;
	v37 =	vadd.s32 v2, v8  }
0x17c: {  	v1 =	vld.idx.msk [tilespmem:v1+s3+$0x0], $0xffff;
	v56 =	vadd.s32 $0xC00, v9;
	v8 =	vand.u32 $0x7FF, v37  }
0x17d: {  	v2 =	vld.idx.msk [tilespmem:v27+s9+$0x0], $0xffff;
	v12 =	vadd.s32 $0x1E00, v8  }
0x17e: {  	v19 =	vld.idx.msk [tilespmem:v10+s9+$0x0], $0xffff;
	v10 =	vand.u32 $0xFFF, v0  }
0x17f: {  	v34 =	vadd.s32 $0xC00, v3;
	v50 =	vadd.s32 $0x1200, v3;
	v7 =	vld.idx.msk [tilespmem:v7+s9+$0x0], $0xffff;
	v60 =	vadd.s32 $0x1E00, v10  }
0x180: {  	v6 =	vld.idx.msk [tilespmem:v6+s9+$0x0], $0xffff;
	v35 =	vadd.s32 $0xC00, v10;
	v62 =	vadd.s32 $0x2A00, v10;
	v52 =	vor.u32 $0x1800, v9  }
0x181: {  	v53 =	vadd.s32 $0x2A00, v9;
	v46 =	vadd.s32 $0x1200, v9;
	v49 =	vadd.s32 $0x1E00, v9;
	v11 =	vld.idx.msk [tilespmem:v56+s9+$0x0], $0xffff  }
0x182: {  	v42 =	vadd.s32 $0x1200, v10;
	vm14 =	vgt.f32 v1, $1.000000010e-01;
	v2 =	vadd.f32 v2, v26;
	v26 =	vld.idx.msk [tilespmem:v12+s9+$0x0], $0xffff  }
0x183: {  	v36 =	vadd.s32 $0x1800, v10;
	vm15 =	vgt.f32 v1, $-1.000000010e-01;
	v58 =	vsel vm14, $0x1, v16;
	v12 =	vld [tilespmem:$0x1FE50]  }
0x184: {  	v21 =	vld.idx.msk [tilespmem:v0+s9+$0x0], $0xffff;
	v0 =	vadd.s32 $0x2400, v9;
	v1 =	vadd.s32 s20, v58;
	v27 =	vsel vm15, $0x1, v16  }
0x185: {  	v9 =	vadd.s32 $0x2400, v10;
	v13 =	vadd.s32 $0x2A00, v8;
	v27 =	vadd.s32 v27, v1;
	v1 =	vld.idx.msk [tilespmem:v52+s9+$0x0], $0xffff  }
0x186: {  	v50 =	vld.idx.msk [tilespmem:v50+s9+$0x0], $0xffff;
	v38 =	vadd.s32 $0x600, v8;
	v14 =	vadd.s32 $0xC00, v8;
	v30 =	vadd.f32 v63, v30  }
0x187: {  	v16 =	vld.idx.msk [tilespmem:v53+s9+$0x0], $0xffff;
	v56 =	vadd.s32 $0x1200, v8;
	v41 =	vadd.s32 $0x2400, v8;
	v8 =	vadd.s32 $0x600, v10  }
0x188: {  	v15 =	vand.u32 $0xFFF, v27;
	v10 =	vadd.f32 v39, v30;
	v30 =	vadd.f32 v11, v12;
	v12 =	vld [tilespmem:$0x1FE60]  }
0x189: {  	v34 =	vld.idx.msk [tilespmem:v34+s9+$0x0], $0xffff;
	v52 =	vadd.s32 $0xC00, v15  }
0x18a: {  	v17 =	vld.idx.msk [tilespmem:v49+s9+$0x0], $0xffff;
	v47 =	vadd.s32 $0x1E00, v15;
	v58 =	vadd.s32 $0x2A00, v15;
	v1 =	vadd.f32 v1, v25  }
0x18b: {  	v53 =	vadd.s32 $0x600, v15;
	v49 =	vadd.s32 $0x1200, v15;
	v0 =	vld.idx.msk [tilespmem:v0+s9+$0x0], $0xffff;
	v40 =	vadd.s32 $0x2400, v15  }
0x18c: {  	v63 =	vld.idx.msk [tilespmem:v46+s9+$0x0], $0xffff;
	v46 =	vadd.s32 $0x1800, v15;
	v15 =	vor.u32 $0x1800, v3;
	v1 =	vadd.f32 v33, v1  }
0x18d: {  	v12 =	vadd.f32 v16, v12;
	v16 =	vld [tilespmem:$0x1FE70]  }
0x18e: {  	v33 =	vadd.f32 v61, v1;
	v61 =	vld [tilespmem:$0x1FE80]  }
0x18f: {  	v39 =	vld.idx.msk [tilespmem:v13+s9+$0x0], $0xffff  }
0x190: {  	v25 =	vld.idx.msk [tilespmem:v37+s9+$0x0], $0xffff  }
0x191: {  	v51 =	vadd.s32 $0x1E00, v3;
	v2 =	vadd.f32 v43, v2;
	v43 =	vld.idx.msk [tilespmem:v15+s9+$0x0], $0xffff  }
0x192: {  	v3 =	vadd.s32 $0x2400, v3;
	v13 =	vmovc v23;
	v23 =	vadd.f32 v59, v10;
	v59 =	vadd.f32 v63, v16;
	v63 =	vld [tilespmem:$0x1FE90]  }
0x193: {  	v10 =	vadd.f32 v57, v30;
	v1 =	vadd.f32 v17, v61;
	v61 =	vld [tilespmem:$0x1FEA0]  }
0x194: {  	v15 =	vmov v20;
	v20 =	vld.idx.msk [tilespmem:v62+s9+$0x0], $0xffff  }
0x195: {  	v11 =	vmov v24;
	v24 =	vld.idx.msk [tilespmem:v9+s9+$0x0], $0xffff;
	v57 =	vadd.f32 v5, v10;
	v5 =	vadd.f32 v29, v12  }
0x196: {  	v2 =	vadd.f32 v55, v2;
	v30 =	vld.idx.msk [tilespmem:v8+s9+$0x0], $0xffff  }
0x197: {  	p0 =	slt.u32 s23, $0x1F8;
	v29 =	vld.idx.msk [tilespmem:v3+s9+$0x0], $0xffff;
	v0 =	vadd.f32 v0, v63;
	v63 =	vadd.f32 v44, v5  }
.Ltmp1:
0x198: {  	v2 =	vadd.f32 v4, v2;
	v1 =	vadd.f32 v61, v1;
	v44 =	vld.idx.msk [tilespmem:v51+s9+$0x0], $0xffff;
	(pc) =	sbr.rel @p0 .LBB2_4-.Ltmp1, $4  }
0x199: {  	v0 =	vadd.f32 v32, v0;
	v3 =	vadd.f32 v54, v63;
	v54 =	vld [tilespmem:$0x1FFF0]  }
0x19a: {  	v1 =	vadd.f32 v28, v1;
	v32 =	vld.idx.msk [tilespmem:v14+s9+$0x0], $0xffff  }
0x19b: {  	s21 =	sadd.s32 $0x8, s23;
	v12 =	vmov v22;
	v28 =	vadd.f32 v6, v2;
	v22 =	vadd.f32 v31, v0;
	v31 =	vld.idx.msk [tilespmem:v60+s9+$0x0], $0xffff  }
0x19c: {  	s23 =	smov.u32 s21;
	s20 =	sadd.s32 $0x18, s20;
	v55 =	vmovc v18;
	v45 =	vadd.f32 v45, v1;
	v14 =	vmov v19;
	v60 =	vld [tilespmem:$0x1FEB0];
	v18 =	vadd.f32 v7, v3  }
0x19d: {  	_ =	sdelay $0x3  }
0x19e: {  	v1 =	vld.idx.msk [tilespmem:v58+s9+$0x0], $0xffff  }
0x19f: {  	v2 =	vld.idx.msk [tilespmem:v35+s9+$0x0], $0xffff  }
0x1a0: {  	v5 =	vld.idx.msk [tilespmem:v42+s9+$0x0], $0xffff  }
0x1a1: {  	v6 =	vld.idx.msk [tilespmem:v52+s9+$0x0], $0xffff;
	v0 =	vadd.f32 v60, v59  }
0x1a2: {  	v7 =	vld.idx.msk [tilespmem:v56+s9+$0x0], $0xffff  }
0x1a3: {  	v9 =	vld.idx.msk [tilespmem:v53+s9+$0x0], $0xffff;
	v0 =	vadd.f32 v13, v0  }
0x1a4: {  	v3 =	vadd.f32 v48, v57;
	v48 =	vld.idx.msk [tilespmem:v38+s9+$0x0], $0xffff  }
0x1a5: {  	v10 =	vadd.f32 v11, v23;
	v51 =	vld.idx.msk [tilespmem:v49+s9+$0x0], $0xffff;
	v0 =	vadd.f32 v15, v0  }
0x1a6: {  	v58 =	vld [tilespmem:$0x1FFC0]  }
0x1a7: {  	v10 =	vadd.f32 v14, v10;
	v59 =	vld [tilespmem:$0x1FF60];
	v0 =	vadd.f32 v50, v0  }
0x1a8: {  	v3 =	vadd.f32 v34, v3;
	v50 =	vld.idx.msk [tilespmem:v27+s9+$0x0], $0xffff  }
0x1a9: {  	v61 =	vld [tilespmem:$0x1FF70];
	v52 =	vadd.f32 v21, v10;
	v0 =	vadd.f32 v5, v0  }
0x1aa: {  	v8 =	vor.u32 $0x1800, v37;
	v54 =	vadd.f32 v30, v28;
	v16 =	vld.idx.msk [tilespmem:v46+s9+$0x0], $0xffff;
	v2 =	vadd.f32 v2, v3  }
0x1ab: {  	v17 =	vld.idx.msk [tilespmem:v41+s9+$0x0], $0xffff;
	v0 =	vadd.f32 v7, v0;
	v7 =	vadd.f32 v25, v52  }
0x1ac: {  	v53 =	vadd.f32 v55, v22;
	v55 =	vld.idx.msk [tilespmem:v47+s9+$0x0], $0xffff;
	v5 =	vadd.f32 v48, v54  }
0x1ad: {  	v56 =	vld.idx.msk [tilespmem:v40+s9+$0x0], $0xffff;
	v2 =	vadd.f32 v32, v2;
	v7 =	vadd.f32 v50, v7  }
0x1ae: {  	v4 =	vadd.f32 v44, v45;
	v3 =	vld.idx.msk [tilespmem:v36+s9+$0x0], $0xffff;
	v5 =	vadd.f32 v9, v5  }
0x1af: {  	v45 =	vadd.f32 v20, v18;
	v8 =	vld.idx.msk [tilespmem:v8+s9+$0x0], $0xffff;
	v2 =	vadd.f32 v6, v2;
	[tilespmem:v58+s17+$0x0] =	vst.idx.msk $0xffff, v7  }
0x1b0: {  	v12 =	vadd.f32 v12, v33;
	[tilespmem:v59+s17+$0x0] =	vst.idx.msk $0xffff, v5  }
0x1b1: {  	v62 =	vld [tilespmem:$0x1FF80];
	[tilespmem:v61+s17+$0x0] =	vst.idx.msk $0xffff, v2;
	v2 =	vadd.f32 v39, v45  }
0x1b2: {  	v63 =	vld [tilespmem:$0x1FF90];
	v12 =	vadd.f32 v43, v12  }
0x1b3: {  	v1 =	vadd.f32 v1, v2;
	v2 =	vld [tilespmem:$0x1FFA0]  }
0x1b4: {  	v3 =	vadd.f32 v3, v12  }
0x1b5: {  	v4 =	vadd.f32 v31, v4  }
0x1b6: {  	v3 =	vadd.f32 v8, v3  }
0x1b7: {  	v4 =	vadd.f32 v26, v4;
	v0 =	vadd.f32 v51, v0  }
0x1b8: {  	v3 =	vadd.f32 v16, v3  }
0x1b9: {  	v4 =	vadd.f32 v55, v4;
	[tilespmem:v62+s17+$0x0] =	vst.idx.msk $0xffff, v0  }
0x1ba: {  	[tilespmem:v63+s17+$0x0] =	vst.idx.msk $0xffff, v3  }
0x1bb: {  	v10 =	vadd.f32 v29, v53;
	[tilespmem:v2+s17+$0x0] =	vst.idx.msk $0xffff, v4;
	v2 =	vld [tilespmem:$0x1FFB0];
	_ =	sdelay $0x1  }
0x1bc: {  	v57 =	vadd.f32 v24, v10;
	_ =	sdelay $0x1  }
0x1bd: {  	v60 =	vadd.f32 v17, v57;
	_ =	sdelay $0x1  }
0x1be: {  	v0 =	vadd.f32 v56, v60;
	_ =	sdelay $0x1  }
0x1bf: {  	[tilespmem:v2+s17+$0x0] =	vst.idx.msk $0xffff, v0;
	v0 =	vld [tilespmem:$0x1FFD0];
	_ =	sdelay $0x7  }
0x1c0: {  	s19 =	sadd.s32 $0x1, s19;
	[tilespmem:v0+s17+$0x0] =	vst.idx.msk $0xffff, v1  }
0x1c1: {  	[hbm4b:s7+s3] =	stream.linear.scatter [tilespmem:s17], [sflag:$0x3], $0x80, $0x38;
	[tilespmem:$0x8080] =	vst v63  }
0x1c2: {  	p0 =	sne.s32 s19, s8;
	_ =	swait.ge [sflag:s10], $0x80  }
.Ltmp2:
0x1c3: {  	[sflag:s10] =	ssyncset.done $0x0;
	(pc) =	sbr.rel @p0 .LBB2_1-.Ltmp2, $4  }
0x1c4: {  	[sflag:s10] =	ssyncadd.s32 $0xFFFFFF80  }
0x1c5: {  	_ =	swait.ge [sflag:s13], $0x2000  }
0x1c6: {  	[sflag:s13] =	ssyncset.done $0x0  }
0x1c7: {  	v2 =	vimm.s32 $0x0;
	v1 =	vld [tilespmem:$0x1FFE0];
	[sflag:s13] =	ssyncadd.s32 $0xFFFFE000  }
0x1c8: {  	_ =	sfence.sel $0x180000  }
0x1c9: {  	[bflag:$0x0] =	sbarrier.arrive $0xFFFF  }
0x1ca: {  	p0 =	sne.s32 s2, $0x0;
	_ =	strace $0x90000047  }
0x1cb: {  	s0 =	sadd.s32 @!p0 $0x100000, s1;
	[bflag:$0x2] =	sbarrier.arrive $0xFFFF  }
0x1cc: {  	[sflag:s0] =	ssyncadd.tile.s32 @!p0 $0x1;
	_ =	shalt  }
.Lfunc_end2:
_tile_overlayer_lowered:
.L_overlay_start_2:
0x1cd: {  	(tag) =	ssettag $0x2  }
0x1ce: {  	s0 =	rddreg [dreg:$0x0];
	s2 =	stileid.u32  }
0x1cf: {  	s1 =	rddreg [dreg:$0x1];
	p0 =	sne.s32 s2, $0x0  }
0x1d0: {  	s3 =	rddreg [dreg:$0x2];
	[bflag:$0x3] =	sbarrier.arrive $0xFFFF;
	s2 =	simm.s32 @!p0 $0x1C03  }
0x1d1: {  	[timem:s3], [sflag:s2] =	dma.local @!p0 [hbm:s0], s1  }
0x1d2: {  	s0 =	simm.s32 @!p0 $0x3  }
0x1d3: {  	_ =	swait.ge @!p0 [sflag:s0], s1  }
0x1d4: {  	s1 =	ssub.s32 @!p0 $0x0, s1;
	[sflag:s0] =	ssyncset.done @!p0 $0x0  }
0x1d5: {  	[sflag:s0] =	ssyncadd.s32 @!p0 s1  }
0x1d6: {  	[bflag:$0x3] =	sbarrier.arrive $0xFFFF  }
0x1d7: {  	_ =	shalt  }

</sc_bundles>
